<compile_context>
chip_gen: v7x
topology: tpu7x:2x2x1
jax: 0.10.2.dev20260603
libtpu: 0.0.44.dev20260713+nightly
codegen_flags: <defaults>
</compile_context>

<pallas_src>
import functools

import jax
import jax.numpy as jnp
from jax import lax
from jax.experimental import pallas as pl
from jax.experimental.pallas import tpu as pltpu
from jax.experimental.pallas import tpu_sc as plsc

_D = 32
_NW = 32
_CHUNK = 512
_GRP = 128


@functools.cache
def _make_gather(n_rows: int, d: int):
    per_w = n_rows // _NW
    n_chunks = per_w // _CHUNK
    mesh = plsc.VectorSubcoreMesh(core_axis_name="c", subcore_axis_name="s")

    @functools.partial(
        pl.kernel,
        mesh=mesh,
        out_type=jax.ShapeDtypeStruct((n_rows, 128), jnp.float32),
        scratch_types=[
            pltpu.VMEM((_CHUNK,), jnp.int32),
            pltpu.VMEM((_CHUNK,), jnp.int32),
            pltpu.VMEM((_CHUNK, d), jnp.float32),
            pltpu.VMEM((_CHUNK, d), jnp.float32),
            pltpu.SemaphoreType.DMA,
            pltpu.SemaphoreType.DMA,
            pltpu.SemaphoreType.DMA,
            pltpu.SemaphoreType.DMA,
        ],
        compiler_params=pltpu.CompilerParams(use_tc_tiling_on_sc=False),
    )
    def body(tokens_hbm, table_hbm, out_hbm, idx_v, idx_b, rows_v, rows_b, sem, semb, osem, osemb):
        wid = lax.axis_index("s") * 2 + lax.axis_index("c")
        base = wid * per_w
        idx = (idx_v, idx_b)
        rows = (rows_v, rows_b)
        gsem = (sem, semb)
        wsem = (osem, osemb)
        n_pairs = n_chunks // 2

        def fire(ci, b):
            off = base + ci * _CHUNK
            pltpu.sync_copy(tokens_hbm.at[pl.ds(off, _CHUNK)], idx[b])
            for g in range(_CHUNK // _GRP):
                pltpu.async_copy(
                    table_hbm.at[idx[b].at[pl.ds(g * _GRP, _GRP)]],
                    rows[b].at[pl.ds(g * _GRP, _GRP)],
                    gsem[b],
                )

        def drain_and_write(ci, b):
            for g in range(_CHUNK // _GRP):
                pltpu.make_async_copy(
                    table_hbm.at[idx[b].at[pl.ds(g * _GRP, _GRP)]],
                    rows[b].at[pl.ds(g * _GRP, _GRP)],
                    gsem[b],
                ).wait()
            off = base + ci * _CHUNK
            pltpu.async_copy(
                rows[b], out_hbm.at[pl.ds(off, _CHUNK), pl.ds(0, d)], wsem[b]
            )

        def wait_write(ci, b):
            off = base + ci * _CHUNK
            pltpu.make_async_copy(
                rows[b], out_hbm.at[pl.ds(off, _CHUNK), pl.ds(0, d)], wsem[b]
            ).wait()

        fire(0, 0)

        def pair(cj, carry):
            i = 2 * cj + 1

            @pl.when(cj > 0)
            def _():
                wait_write(i - 2, 1)

            fire(i, 1)
            drain_and_write(i - 1, 0)

            @pl.when(cj < n_pairs - 1)
            def _():
                wait_write(i - 1, 0)
                fire(i + 1, 0)

            drain_and_write(i, 1)
            return carry

        lax.fori_loop(0, n_pairs, pair, 0)
        wait_write(n_chunks - 2, 0)
        wait_write(n_chunks - 1, 1)

    return body


def kernel(tokens, table):
    b, h = tokens.shape
    d = table.shape[1]
    flat = tokens.reshape(-1).astype(jnp.int32)
    out = _make_gather(flat.shape[0], d)(flat, table)
    return out[:, :d].reshape(b, h, d)

# --- scband reference (transcript-rebuilt; emitter-appended) ---
"""Pipeline reference for scband-token-embedding-85083302134276 (READ-ONLY COPY).

The authoritative reference and input builder live on the scoring server;
editing this copy changes nothing except your own understanding.
"""

import jax, jax.numpy as jnp
import numpy as np

VOCAB = 1000000
EMBED_DIM = 32
BATCH = 4096
HIST = 200


def setup_inputs(seed: int = 0) -> dict:
    key = jax.random.key(seed)
    k_tok, k_tab = jax.random.split(key)
    tokens = jax.random.randint(k_tok, (BATCH, HIST), 0, VOCAB, dtype=jnp.int64 if jax.config.jax_enable_x64 else jnp.int32)
    table = jax.random.normal(k_tab, (VOCAB, EMBED_DIM), dtype=jnp.float32)
    return {"tokens": tokens, "table": table}


def reference(tokens, table):
    # nn.Embedding forward: simple row gather from the embedding table.
    return jnp.take(table, tokens, axis=0)

if __name__ == "__main__":
    import jax
    _d = setup_inputs()
    print(jax.jit(kernel)(*tuple(_d.values())))

</pallas_src>

<mosaic_0001>
#map = affine_map<(d0, d1) -> (0)>
#map1 = affine_map<(d0, d1) -> (0, 0)>
module attributes {stable_mosaic.version = 14 : i64} {
  func.func @body(%arg0: i32, %arg1: i32, %arg2: memref<819200xi32, #tpu.memory_space<hbm>>, %arg3: memref<1000000x32xf32, #tpu.memory_space<hbm>>, %arg4: memref<819200x128xf32, #tpu.memory_space<hbm>>, %arg5: memref<512xi32, #tpu.memory_space<vmem>>, %arg6: memref<512xi32, #tpu.memory_space<vmem>>, %arg7: memref<512x32xf32, #tpu.memory_space<vmem>>, %arg8: memref<512x32xf32, #tpu.memory_space<vmem>>, %arg9: memref<!tpu.dma_semaphore, #tpu.memory_space<semaphore_mem>>, %arg10: memref<!tpu.dma_semaphore, #tpu.memory_space<semaphore_mem>>, %arg11: memref<!tpu.dma_semaphore, #tpu.memory_space<semaphore_mem>>, %arg12: memref<!tpu.dma_semaphore, #tpu.memory_space<semaphore_mem>>) attributes {dimension_semantics = [#tpu.dimension_semantics<core_parallel>, #tpu.dimension_semantics<subcore_parallel>], iteration_bounds = array<i64: 2, 16>, scalar_prefetch = 0 : i64, scratch_operands = 8 : i64, tpu.core_type = #tpu.core_type<sc_vector_subcore>, window_params = [{transform_indices = #map}, {transform_indices = #map1}, {transform_indices = #map1}]} {
    %mul3A = arith.constant 2 : i32
    %mul3A_0 = arith.muli %arg1, %mul3A : i32
    %add3A = arith.addi %mul3A_0, %arg0 : i32
    %mul3A_1 = arith.constant 25600 : i32
    %mul3A_2 = arith.muli %add3A, %mul3A_1 : i32
    %add3A_3 = arith.constant 0 : i32
    %add3A_4 = arith.addi %mul3A_2, %add3A_3 : i32
    "tpu.region"() ({
      %run_scoped3A = tpu.sem_alloc : memref<!tpu.dma_semaphore, #tpu.memory_space<semaphore_mem>>
      %dma_start3A_52 = tpu.memref_slice %arg2[%add3A_4] : memref<819200xi32, #tpu.memory_space<hbm>> -> memref<512xi32, #tpu.memory_space<hbm>>
      %dma_start3A_53 = tpu.memref_slice %arg2[%add3A_4] : memref<819200xi32, #tpu.memory_space<hbm>> -> memref<512xi32, #tpu.memory_space<hbm>>
      tpu.enqueue_dma source(%dma_start3A_53 : memref<512xi32, #tpu.memory_space<hbm>>) target(%arg5 : memref<512xi32, #tpu.memory_space<vmem>>) target_semaphore(%run_scoped3A : memref<!tpu.dma_semaphore, #tpu.memory_space<semaphore_mem>>)
      %dma_wait3A_54 = tpu.memref_slice %arg2[%add3A_4] : memref<819200xi32, #tpu.memory_space<hbm>> -> memref<512xi32, #tpu.memory_space<hbm>>
      %dma_wait3A_55 = tpu.memref_slice %arg2[%add3A_4] : memref<819200xi32, #tpu.memory_space<hbm>> -> memref<512xi32, #tpu.memory_space<hbm>>
      tpu.wait_dma2 semaphore(%run_scoped3A : memref<!tpu.dma_semaphore, #tpu.memory_space<semaphore_mem>>) src(%dma_wait3A_55 : memref<512xi32, #tpu.memory_space<hbm>>) dst(%arg5 : memref<512xi32, #tpu.memory_space<vmem>>)
      tpu.yield
    }) : () -> ()
    %dma_start3A = arith.constant 0 : i32
    %dma_start3A_5 = arith.constant 0 : i32
    %dma_start3A_6 = tpu.memref_slice %arg7[%dma_start3A, %dma_start3A_5] : memref<512x32xf32, #tpu.memory_space<vmem>> -> memref<128x32xf32, #tpu.memory_space<vmem>>
    %dma_start3A_7 = arith.constant 0 : i32
    %dma_start3A_8 = tpu.memref_slice %arg5[%dma_start3A_7] : memref<512xi32, #tpu.memory_space<vmem>> -> memref<128xi32, #tpu.memory_space<vmem>>
    %dma_start3A_9 = arith.constant 0 : i32
    %dma_start3A_10 = arith.constant 0 : i32
    %dma_start3A_11 = tpu.memref_slice %arg3[%dma_start3A_9, %dma_start3A_10] : memref<1000000x32xf32, #tpu.memory_space<hbm>> -> memref<1000000x32xf32, #tpu.memory_space<hbm>>
    tpu.enqueue_indirect_dma source(%dma_start3A_11 : memref<1000000x32xf32, #tpu.memory_space<hbm>>) target(%dma_start3A_6 : memref<128x32xf32, #tpu.memory_space<vmem>>) offsets(%dma_start3A_8 : memref<128xi32, #tpu.memory_space<vmem>>) semaphore(%arg9 : memref<!tpu.dma_semaphore, #tpu.memory_space<semaphore_mem>>)
    %dma_start3A_12 = arith.constant 128 : i32
    %dma_start3A_13 = arith.constant 0 : i32
    %dma_start3A_14 = tpu.memref_slice %arg7[%dma_start3A_12, %dma_start3A_13] : memref<512x32xf32, #tpu.memory_space<vmem>> -> memref<128x32xf32, #tpu.memory_space<vmem>>
    %dma_start3A_15 = arith.constant 128 : i32
    %dma_start3A_16 = tpu.memref_slice %arg5[%dma_start3A_15] : memref<512xi32, #tpu.memory_space<vmem>> -> memref<128xi32, #tpu.memory_space<vmem>>
    %dma_start3A_17 = arith.constant 0 : i32
    %dma_start3A_18 = arith.constant 0 : i32
    %dma_start3A_19 = tpu.memref_slice %arg3[%dma_start3A_17, %dma_start3A_18] : memref<1000000x32xf32, #tpu.memory_space<hbm>> -> memref<1000000x32xf32, #tpu.memory_space<hbm>>
    tpu.enqueue_indirect_dma source(%dma_start3A_19 : memref<1000000x32xf32, #tpu.memory_space<hbm>>) target(%dma_start3A_14 : memref<128x32xf32, #tpu.memory_space<vmem>>) offsets(%dma_start3A_16 : memref<128xi32, #tpu.memory_space<vmem>>) semaphore(%arg9 : memref<!tpu.dma_semaphore, #tpu.memory_space<semaphore_mem>>)
    %dma_start3A_20 = arith.constant 256 : i32
    %dma_start3A_21 = arith.constant 0 : i32
    %dma_start3A_22 = tpu.memref_slice %arg7[%dma_start3A_20, %dma_start3A_21] : memref<512x32xf32, #tpu.memory_space<vmem>> -> memref<128x32xf32, #tpu.memory_space<vmem>>
    %dma_start3A_23 = arith.constant 256 : i32
    %dma_start3A_24 = tpu.memref_slice %arg5[%dma_start3A_23] : memref<512xi32, #tpu.memory_space<vmem>> -> memref<128xi32, #tpu.memory_space<vmem>>
    %dma_start3A_25 = arith.constant 0 : i32
    %dma_start3A_26 = arith.constant 0 : i32
    %dma_start3A_27 = tpu.memref_slice %arg3[%dma_start3A_25, %dma_start3A_26] : memref<1000000x32xf32, #tpu.memory_space<hbm>> -> memref<1000000x32xf32, #tpu.memory_space<hbm>>
    tpu.enqueue_indirect_dma source(%dma_start3A_27 : memref<1000000x32xf32, #tpu.memory_space<hbm>>) target(%dma_start3A_22 : memref<128x32xf32, #tpu.memory_space<vmem>>) offsets(%dma_start3A_24 : memref<128xi32, #tpu.memory_space<vmem>>) semaphore(%arg9 : memref<!tpu.dma_semaphore, #tpu.memory_space<semaphore_mem>>)
    %dma_start3A_28 = arith.constant 384 : i32
    %dma_start3A_29 = arith.constant 0 : i32
    %dma_start3A_30 = tpu.memref_slice %arg7[%dma_start3A_28, %dma_start3A_29] : memref<512x32xf32, #tpu.memory_space<vmem>> -> memref<128x32xf32, #tpu.memory_space<vmem>>
    %dma_start3A_31 = arith.constant 384 : i32
    %dma_start3A_32 = tpu.memref_slice %arg5[%dma_start3A_31] : memref<512xi32, #tpu.memory_space<vmem>> -> memref<128xi32, #tpu.memory_space<vmem>>
    %dma_start3A_33 = arith.constant 0 : i32
    %dma_start3A_34 = arith.constant 0 : i32
    %dma_start3A_35 = tpu.memref_slice %arg3[%dma_start3A_33, %dma_start3A_34] : memref<1000000x32xf32, #tpu.memory_space<hbm>> -> memref<1000000x32xf32, #tpu.memory_space<hbm>>
    tpu.enqueue_indirect_dma source(%dma_start3A_35 : memref<1000000x32xf32, #tpu.memory_space<hbm>>) target(%dma_start3A_30 : memref<128x32xf32, #tpu.memory_space<vmem>>) offsets(%dma_start3A_32 : memref<128xi32, #tpu.memory_space<vmem>>) semaphore(%arg9 : memref<!tpu.dma_semaphore, #tpu.memory_space<semaphore_mem>>)
    %scan3A = arith.constant 0 : i32
    %scan3A_36 = arith.constant 0 : i32
    %scan3A_37 = arith.constant 25 : i32
    %scan3A_38 = arith.addi %scan3A_36, %scan3A_37 : i32
    %scan3A_39 = arith.constant 1 : i32
    scf.for %scan3A_52 = %scan3A_36 to %scan3A_38 step %scan3A_39  : i32 {
      %mul3A_53 = arith.constant 2 : i32
      %mul3A_54 = arith.muli %mul3A_53, %scan3A_52 : i32
      %add3A_55 = arith.constant 1 : i32
      %add3A_56 = arith.addi %mul3A_54, %add3A_55 : i32
      %gt3A = arith.constant 0 : i32
      %gt3A_57 = arith.cmpi sgt, %scan3A_52, %gt3A : i32
      %convert_element_type3A = arith.extui %gt3A_57 : i1 to i32
      %cond3A = arith.constant 0 : i32
      %cond3A_58 = arith.cmpi ne, %convert_element_type3A, %cond3A : i32
      scf.if %cond3A_58 {
        %sub3A_177 = arith.constant 2 : i32
        %sub3A_178 = arith.subi %add3A_56, %sub3A_177 : i32
        %mul3A_179 = arith.constant 512 : i32
        %mul3A_180 = arith.muli %sub3A_178, %mul3A_179 : i32
        %add3A_181 = arith.addi %mul3A_2, %mul3A_180 : i32
        %dma_wait3A_182 = arith.constant 0 : i32
        %dma_wait3A_183 = tpu.memref_slice %arg4[%add3A_181, %dma_wait3A_182] : memref<819200x128xf32, #tpu.memory_space<hbm>> -> memref<512x32xf32, #tpu.memory_space<hbm>>
        %dma_wait3A_184 = arith.constant 0 : i32
        %dma_wait3A_185 = tpu.memref_slice %arg4[%add3A_181, %dma_wait3A_184] : memref<819200x128xf32, #tpu.memory_space<hbm>> -> memref<512x32xf32, #tpu.memory_space<hbm>>
        tpu.wait_dma2 semaphore(%arg12 : memref<!tpu.dma_semaphore, #tpu.memory_space<semaphore_mem>>) src(%arg8 : memref<512x32xf32, #tpu.memory_space<vmem>>) dst(%dma_wait3A_185 : memref<512x32xf32, #tpu.memory_space<hbm>>)
      } else {
      }
      %mul3A_59 = arith.constant 512 : i32
      %mul3A_60 = arith.muli %add3A_56, %mul3A_59 : i32
      %add3A_61 = arith.addi %mul3A_2, %mul3A_60 : i32
      "tpu.region"() ({
        %run_scoped3A = tpu.sem_alloc : memref<!tpu.dma_semaphore, #tpu.memory_space<semaphore_mem>>
        %dma_start3A_177 = tpu.memref_slice %arg2[%add3A_61] : memref<819200xi32, #tpu.memory_space<hbm>> -> memref<512xi32, #tpu.memory_space<hbm>>
        %dma_start3A_178 = tpu.memref_slice %arg2[%add3A_61] : memref<819200xi32, #tpu.memory_space<hbm>> -> memref<512xi32, #tpu.memory_space<hbm>>
        tpu.enqueue_dma source(%dma_start3A_178 : memref<512xi32, #tpu.memory_space<hbm>>) target(%arg6 : memref<512xi32, #tpu.memory_space<vmem>>) target_semaphore(%run_scoped3A : memref<!tpu.dma_semaphore, #tpu.memory_space<semaphore_mem>>)
        %dma_wait3A_179 = tpu.memref_slice %arg2[%add3A_61] : memref<819200xi32, #tpu.memory_space<hbm>> -> memref<512xi32, #tpu.memory_space<hbm>>
        %dma_wait3A_180 = tpu.memref_slice %arg2[%add3A_61] : memref<819200xi32, #tpu.memory_space<hbm>> -> memref<512xi32, #tpu.memory_space<hbm>>
        tpu.wait_dma2 semaphore(%run_scoped3A : memref<!tpu.dma_semaphore, #tpu.memory_space<semaphore_mem>>) src(%dma_wait3A_180 : memref<512xi32, #tpu.memory_space<hbm>>) dst(%arg6 : memref<512xi32, #tpu.memory_space<vmem>>)
        tpu.yield
      }) : () -> ()
      %dma_start3A_62 = arith.constant 0 : i32
      %dma_start3A_63 = arith.constant 0 : i32
      %dma_start3A_64 = tpu.memref_slice %arg8[%dma_start3A_62, %dma_start3A_63] : memref<512x32xf32, #tpu.memory_space<vmem>> -> memref<128x32xf32, #tpu.memory_space<vmem>>
      %dma_start3A_65 = arith.constant 0 : i32
      %dma_start3A_66 = tpu.memref_slice %arg6[%dma_start3A_65] : memref<512xi32, #tpu.memory_space<vmem>> -> memref<128xi32, #tpu.memory_space<vmem>>
      %dma_start3A_67 = arith.constant 0 : i32
      %dma_start3A_68 = arith.constant 0 : i32
      %dma_start3A_69 = tpu.memref_slice %arg3[%dma_start3A_67, %dma_start3A_68] : memref<1000000x32xf32, #tpu.memory_space<hbm>> -> memref<1000000x32xf32, #tpu.memory_space<hbm>>
      tpu.enqueue_indirect_dma source(%dma_start3A_69 : memref<1000000x32xf32, #tpu.memory_space<hbm>>) target(%dma_start3A_64 : memref<128x32xf32, #tpu.memory_space<vmem>>) offsets(%dma_start3A_66 : memref<128xi32, #tpu.memory_space<vmem>>) semaphore(%arg10 : memref<!tpu.dma_semaphore, #tpu.memory_space<semaphore_mem>>)
      %dma_start3A_70 = arith.constant 128 : i32
      %dma_start3A_71 = arith.constant 0 : i32
      %dma_start3A_72 = tpu.memref_slice %arg8[%dma_start3A_70, %dma_start3A_71] : memref<512x32xf32, #tpu.memory_space<vmem>> -> memref<128x32xf32, #tpu.memory_space<vmem>>
      %dma_start3A_73 = arith.constant 128 : i32
      %dma_start3A_74 = tpu.memref_slice %arg6[%dma_start3A_73] : memref<512xi32, #tpu.memory_space<vmem>> -> memref<128xi32, #tpu.memory_space<vmem>>
      %dma_start3A_75 = arith.constant 0 : i32
      %dma_start3A_76 = arith.constant 0 : i32
      %dma_start3A_77 = tpu.memref_slice %arg3[%dma_start3A_75, %dma_start3A_76] : memref<1000000x32xf32, #tpu.memory_space<hbm>> -> memref<1000000x32xf32, #tpu.memory_space<hbm>>
      tpu.enqueue_indirect_dma source(%dma_start3A_77 : memref<1000000x32xf32, #tpu.memory_space<hbm>>) target(%dma_start3A_72 : memref<128x32xf32, #tpu.memory_space<vmem>>) offsets(%dma_start3A_74 : memref<128xi32, #tpu.memory_space<vmem>>) semaphore(%arg10 : memref<!tpu.dma_semaphore, #tpu.memory_space<semaphore_mem>>)
      %dma_start3A_78 = arith.constant 256 : i32
      %dma_start3A_79 = arith.constant 0 : i32
      %dma_start3A_80 = tpu.memref_slice %arg8[%dma_start3A_78, %dma_start3A_79] : memref<512x32xf32, #tpu.memory_space<vmem>> -> memref<128x32xf32, #tpu.memory_space<vmem>>
      %dma_start3A_81 = arith.constant 256 : i32
      %dma_start3A_82 = tpu.memref_slice %arg6[%dma_start3A_81] : memref<512xi32, #tpu.memory_space<vmem>> -> memref<128xi32, #tpu.memory_space<vmem>>
      %dma_start3A_83 = arith.constant 0 : i32
      %dma_start3A_84 = arith.constant 0 : i32
      %dma_start3A_85 = tpu.memref_slice %arg3[%dma_start3A_83, %dma_start3A_84] : memref<1000000x32xf32, #tpu.memory_space<hbm>> -> memref<1000000x32xf32, #tpu.memory_space<hbm>>
      tpu.enqueue_indirect_dma source(%dma_start3A_85 : memref<1000000x32xf32, #tpu.memory_space<hbm>>) target(%dma_start3A_80 : memref<128x32xf32, #tpu.memory_space<vmem>>) offsets(%dma_start3A_82 : memref<128xi32, #tpu.memory_space<vmem>>) semaphore(%arg10 : memref<!tpu.dma_semaphore, #tpu.memory_space<semaphore_mem>>)
      %dma_start3A_86 = arith.constant 384 : i32
      %dma_start3A_87 = arith.constant 0 : i32
      %dma_start3A_88 = tpu.memref_slice %arg8[%dma_start3A_86, %dma_start3A_87] : memref<512x32xf32, #tpu.memory_space<vmem>> -> memref<128x32xf32, #tpu.memory_space<vmem>>
      %dma_start3A_89 = arith.constant 384 : i32
      %dma_start3A_90 = tpu.memref_slice %arg6[%dma_start3A_89] : memref<512xi32, #tpu.memory_space<vmem>> -> memref<128xi32, #tpu.memory_space<vmem>>
      %dma_start3A_91 = arith.constant 0 : i32
      %dma_start3A_92 = arith.constant 0 : i32
      %dma_start3A_93 = tpu.memref_slice %arg3[%dma_start3A_91, %dma_start3A_92] : memref<1000000x32xf32, #tpu.memory_space<hbm>> -> memref<1000000x32xf32, #tpu.memory_space<hbm>>
      tpu.enqueue_indirect_dma source(%dma_start3A_93 : memref<1000000x32xf32, #tpu.memory_space<hbm>>) target(%dma_start3A_88 : memref<128x32xf32, #tpu.memory_space<vmem>>) offsets(%dma_start3A_90 : memref<128xi32, #tpu.memory_space<vmem>>) semaphore(%arg10 : memref<!tpu.dma_semaphore, #tpu.memory_space<semaphore_mem>>)
      %sub3A = arith.constant 1 : i32
      %sub3A_94 = arith.subi %add3A_56, %sub3A : i32
      %dma_wait3A_95 = arith.constant 0 : i32
      %dma_wait3A_96 = arith.constant 0 : i32
      %dma_wait3A_97 = tpu.memref_slice %arg7[%dma_wait3A_95, %dma_wait3A_96] : memref<512x32xf32, #tpu.memory_space<vmem>> -> memref<128x32xf32, #tpu.memory_space<vmem>>
      %dma_wait3A_98 = arith.constant 0 : i32
      %dma_wait3A_99 = tpu.memref_slice %arg5[%dma_wait3A_98] : memref<512xi32, #tpu.memory_space<vmem>> -> memref<128xi32, #tpu.memory_space<vmem>>
      %dma_wait3A_100 = arith.constant 0 : i32
      %dma_wait3A_101 = arith.constant 0 : i32
      %dma_wait3A_102 = tpu.memref_slice %arg3[%dma_wait3A_100, %dma_wait3A_101] : memref<1000000x32xf32, #tpu.memory_space<hbm>> -> memref<1000000x32xf32, #tpu.memory_space<hbm>>
      tpu.wait_indirect_dma semaphore(%arg9 : memref<!tpu.dma_semaphore, #tpu.memory_space<semaphore_mem>>) src(%dma_wait3A_102 : memref<1000000x32xf32, #tpu.memory_space<hbm>>) dst(%dma_wait3A_97 : memref<128x32xf32, #tpu.memory_space<vmem>>)
      %dma_wait3A_103 = arith.constant 128 : i32
      %dma_wait3A_104 = arith.constant 0 : i32
      %dma_wait3A_105 = tpu.memref_slice %arg7[%dma_wait3A_103, %dma_wait3A_104] : memref<512x32xf32, #tpu.memory_space<vmem>> -> memref<128x32xf32, #tpu.memory_space<vmem>>
      %dma_wait3A_106 = arith.constant 128 : i32
      %dma_wait3A_107 = tpu.memref_slice %arg5[%dma_wait3A_106] : memref<512xi32, #tpu.memory_space<vmem>> -> memref<128xi32, #tpu.memory_space<vmem>>
      %dma_wait3A_108 = arith.constant 0 : i32
      %dma_wait3A_109 = arith.constant 0 : i32
      %dma_wait3A_110 = tpu.memref_slice %arg3[%dma_wait3A_108, %dma_wait3A_109] : memref<1000000x32xf32, #tpu.memory_space<hbm>> -> memref<1000000x32xf32, #tpu.memory_space<hbm>>
      tpu.wait_indirect_dma semaphore(%arg9 : memref<!tpu.dma_semaphore, #tpu.memory_space<semaphore_mem>>) src(%dma_wait3A_110 : memref<1000000x32xf32, #tpu.memory_space<hbm>>) dst(%dma_wait3A_105 : memref<128x32xf32, #tpu.memory_space<vmem>>)
      %dma_wait3A_111 = arith.constant 256 : i32
      %dma_wait3A_112 = arith.constant 0 : i32
      %dma_wait3A_113 = tpu.memref_slice %arg7[%dma_wait3A_111, %dma_wait3A_112] : memref<512x32xf32, #tpu.memory_space<vmem>> -> memref<128x32xf32, #tpu.memory_space<vmem>>
      %dma_wait3A_114 = arith.constant 256 : i32
      %dma_wait3A_115 = tpu.memref_slice %arg5[%dma_wait3A_114] : memref<512xi32, #tpu.memory_space<vmem>> -> memref<128xi32, #tpu.memory_space<vmem>>
      %dma_wait3A_116 = arith.constant 0 : i32
      %dma_wait3A_117 = arith.constant 0 : i32
      %dma_wait3A_118 = tpu.memref_slice %arg3[%dma_wait3A_116, %dma_wait3A_117] : memref<1000000x32xf32, #tpu.memory_space<hbm>> -> memref<1000000x32xf32, #tpu.memory_space<hbm>>
      tpu.wait_indirect_dma semaphore(%arg9 : memref<!tpu.dma_semaphore, #tpu.memory_space<semaphore_mem>>) src(%dma_wait3A_118 : memref<1000000x32xf32, #tpu.memory_space<hbm>>) dst(%dma_wait3A_113 : memref<128x32xf32, #tpu.memory_space<vmem>>)
      %dma_wait3A_119 = arith.constant 384 : i32
      %dma_wait3A_120 = arith.constant 0 : i32
      %dma_wait3A_121 = tpu.memref_slice %arg7[%dma_wait3A_119, %dma_wait3A_120] : memref<512x32xf32, #tpu.memory_space<vmem>> -> memref<128x32xf32, #tpu.memory_space<vmem>>
      %dma_wait3A_122 = arith.constant 384 : i32
      %dma_wait3A_123 = tpu.memref_slice %arg5[%dma_wait3A_122] : memref<512xi32, #tpu.memory_space<vmem>> -> memref<128xi32, #tpu.memory_space<vmem>>
      %dma_wait3A_124 = arith.constant 0 : i32
      %dma_wait3A_125 = arith.constant 0 : i32
      %dma_wait3A_126 = tpu.memref_slice %arg3[%dma_wait3A_124, %dma_wait3A_125] : memref<1000000x32xf32, #tpu.memory_space<hbm>> -> memref<1000000x32xf32, #tpu.memory_space<hbm>>
      tpu.wait_indirect_dma semaphore(%arg9 : memref<!tpu.dma_semaphore, #tpu.memory_space<semaphore_mem>>) src(%dma_wait3A_126 : memref<1000000x32xf32, #tpu.memory_space<hbm>>) dst(%dma_wait3A_121 : memref<128x32xf32, #tpu.memory_space<vmem>>)
      %mul3A_127 = arith.constant 512 : i32
      %mul3A_128 = arith.muli %sub3A_94, %mul3A_127 : i32
      %add3A_129 = arith.addi %mul3A_2, %mul3A_128 : i32
      %dma_start3A_130 = arith.constant 0 : i32
      %dma_start3A_131 = tpu.memref_slice %arg4[%add3A_129, %dma_start3A_130] : memref<819200x128xf32, #tpu.memory_space<hbm>> -> memref<512x32xf32, #tpu.memory_space<hbm>>
      %dma_start3A_132 = arith.constant 0 : i32
      %dma_start3A_133 = tpu.memref_slice %arg4[%add3A_129, %dma_start3A_132] : memref<819200x128xf32, #tpu.memory_space<hbm>> -> memref<512x32xf32, #tpu.memory_space<hbm>>
      tpu.enqueue_dma source(%arg7 : memref<512x32xf32, #tpu.memory_space<vmem>>) target(%dma_start3A_133 : memref<512x32xf32, #tpu.memory_space<hbm>>) target_semaphore(%arg11 : memref<!tpu.dma_semaphore, #tpu.memory_space<semaphore_mem>>)
      %lt3A = arith.constant 24 : i32
      %lt3A_134 = arith.cmpi slt, %scan3A_52, %lt3A : i32
      %convert_element_type3A_135 = arith.extui %lt3A_134 : i1 to i32
      %cond3A_136 = arith.constant 0 : i32
      %cond3A_137 = arith.cmpi ne, %convert_element_type3A_135, %cond3A_136 : i32
      scf.if %cond3A_137 {
        %sub3A_177 = arith.constant 1 : i32
        %sub3A_178 = arith.subi %add3A_56, %sub3A_177 : i32
        %mul3A_179 = arith.constant 512 : i32
        %mul3A_180 = arith.muli %sub3A_178, %mul3A_179 : i32
        %add3A_181 = arith.addi %mul3A_2, %mul3A_180 : i32
        %dma_wait3A_182 = arith.constant 0 : i32
        %dma_wait3A_183 = tpu.memref_slice %arg4[%add3A_181, %dma_wait3A_182] : memref<819200x128xf32, #tpu.memory_space<hbm>> -> memref<512x32xf32, #tpu.memory_space<hbm>>
        %dma_wait3A_184 = arith.constant 0 : i32
        %dma_wait3A_185 = tpu.memref_slice %arg4[%add3A_181, %dma_wait3A_184] : memref<819200x128xf32, #tpu.memory_space<hbm>> -> memref<512x32xf32, #tpu.memory_space<hbm>>
        tpu.wait_dma2 semaphore(%arg11 : memref<!tpu.dma_semaphore, #tpu.memory_space<semaphore_mem>>) src(%arg7 : memref<512x32xf32, #tpu.memory_space<vmem>>) dst(%dma_wait3A_185 : memref<512x32xf32, #tpu.memory_space<hbm>>)
        %add3A_186 = arith.constant 1 : i32
        %add3A_187 = arith.addi %add3A_56, %add3A_186 : i32
        %mul3A_188 = arith.constant 512 : i32
        %mul3A_189 = arith.muli %add3A_187, %mul3A_188 : i32
        %add3A_190 = arith.addi %mul3A_2, %mul3A_189 : i32
        "tpu.region"() ({
          %run_scoped3A = tpu.sem_alloc : memref<!tpu.dma_semaphore, #tpu.memory_space<semaphore_mem>>
          %dma_start3A_223 = tpu.memref_slice %arg2[%add3A_190] : memref<819200xi32, #tpu.memory_space<hbm>> -> memref<512xi32, #tpu.memory_space<hbm>>
          %dma_start3A_224 = tpu.memref_slice %arg2[%add3A_190] : memref<819200xi32, #tpu.memory_space<hbm>> -> memref<512xi32, #tpu.memory_space<hbm>>
          tpu.enqueue_dma source(%dma_start3A_224 : memref<512xi32, #tpu.memory_space<hbm>>) target(%arg5 : memref<512xi32, #tpu.memory_space<vmem>>) target_semaphore(%run_scoped3A : memref<!tpu.dma_semaphore, #tpu.memory_space<semaphore_mem>>)
          %dma_wait3A_225 = tpu.memref_slice %arg2[%add3A_190] : memref<819200xi32, #tpu.memory_space<hbm>> -> memref<512xi32, #tpu.memory_space<hbm>>
          %dma_wait3A_226 = tpu.memref_slice %arg2[%add3A_190] : memref<819200xi32, #tpu.memory_space<hbm>> -> memref<512xi32, #tpu.memory_space<hbm>>
          tpu.wait_dma2 semaphore(%run_scoped3A : memref<!tpu.dma_semaphore, #tpu.memory_space<semaphore_mem>>) src(%dma_wait3A_226 : memref<512xi32, #tpu.memory_space<hbm>>) dst(%arg5 : memref<512xi32, #tpu.memory_space<vmem>>)
          tpu.yield
        }) : () -> ()
        %dma_start3A_191 = arith.constant 0 : i32
        %dma_start3A_192 = arith.constant 0 : i32
        %dma_start3A_193 = tpu.memref_slice %arg7[%dma_start3A_191, %dma_start3A_192] : memref<512x32xf32, #tpu.memory_space<vmem>> -> memref<128x32xf32, #tpu.memory_space<vmem>>
        %dma_start3A_194 = arith.constant 0 : i32
        %dma_start3A_195 = tpu.memref_slice %arg5[%dma_start3A_194] : memref<512xi32, #tpu.memory_space<vmem>> -> memref<128xi32, #tpu.memory_space<vmem>>
        %dma_start3A_196 = arith.constant 0 : i32
        %dma_start3A_197 = arith.constant 0 : i32
        %dma_start3A_198 = tpu.memref_slice %arg3[%dma_start3A_196, %dma_start3A_197] : memref<1000000x32xf32, #tpu.memory_space<hbm>> -> memref<1000000x32xf32, #tpu.memory_space<hbm>>
        tpu.enqueue_indirect_dma source(%dma_start3A_198 : memref<1000000x32xf32, #tpu.memory_space<hbm>>) target(%dma_start3A_193 : memref<128x32xf32, #tpu.memory_space<vmem>>) offsets(%dma_start3A_195 : memref<128xi32, #tpu.memory_space<vmem>>) semaphore(%arg9 : memref<!tpu.dma_semaphore, #tpu.memory_space<semaphore_mem>>)
        %dma_start3A_199 = arith.constant 128 : i32
        %dma_start3A_200 = arith.constant 0 : i32
        %dma_start3A_201 = tpu.memref_slice %arg7[%dma_start3A_199, %dma_start3A_200] : memref<512x32xf32, #tpu.memory_space<vmem>> -> memref<128x32xf32, #tpu.memory_space<vmem>>
        %dma_start3A_202 = arith.constant 128 : i32
        %dma_start3A_203 = tpu.memref_slice %arg5[%dma_start3A_202] : memref<512xi32, #tpu.memory_space<vmem>> -> memref<128xi32, #tpu.memory_space<vmem>>
        %dma_start3A_204 = arith.constant 0 : i32
        %dma_start3A_205 = arith.constant 0 : i32
        %dma_start3A_206 = tpu.memref_slice %arg3[%dma_start3A_204, %dma_start3A_205] : memref<1000000x32xf32, #tpu.memory_space<hbm>> -> memref<1000000x32xf32, #tpu.memory_space<hbm>>
        tpu.enqueue_indirect_dma source(%dma_start3A_206 : memref<1000000x32xf32, #tpu.memory_space<hbm>>) target(%dma_start3A_201 : memref<128x32xf32, #tpu.memory_space<vmem>>) offsets(%dma_start3A_203 : memref<128xi32, #tpu.memory_space<vmem>>) semaphore(%arg9 : memref<!tpu.dma_semaphore, #tpu.memory_space<semaphore_mem>>)
        %dma_start3A_207 = arith.constant 256 : i32
        %dma_start3A_208 = arith.constant 0 : i32
        %dma_start3A_209 = tpu.memref_slice %arg7[%dma_start3A_207, %dma_start3A_208] : memref<512x32xf32, #tpu.memory_space<vmem>> -> memref<128x32xf32, #tpu.memory_space<vmem>>
        %dma_start3A_210 = arith.constant 256 : i32
        %dma_start3A_211 = tpu.memref_slice %arg5[%dma_start3A_210] : memref<512xi32, #tpu.memory_space<vmem>> -> memref<128xi32, #tpu.memory_space<vmem>>
        %dma_start3A_212 = arith.constant 0 : i32
        %dma_start3A_213 = arith.constant 0 : i32
        %dma_start3A_214 = tpu.memref_slice %arg3[%dma_start3A_212, %dma_start3A_213] : memref<1000000x32xf32, #tpu.memory_space<hbm>> -> memref<1000000x32xf32, #tpu.memory_space<hbm>>
        tpu.enqueue_indirect_dma source(%dma_start3A_214 : memref<1000000x32xf32, #tpu.memory_space<hbm>>) target(%dma_start3A_209 : memref<128x32xf32, #tpu.memory_space<vmem>>) offsets(%dma_start3A_211 : memref<128xi32, #tpu.memory_space<vmem>>) semaphore(%arg9 : memref<!tpu.dma_semaphore, #tpu.memory_space<semaphore_mem>>)
        %dma_start3A_215 = arith.constant 384 : i32
        %dma_start3A_216 = arith.constant 0 : i32
        %dma_start3A_217 = tpu.memref_slice %arg7[%dma_start3A_215, %dma_start3A_216] : memref<512x32xf32, #tpu.memory_space<vmem>> -> memref<128x32xf32, #tpu.memory_space<vmem>>
        %dma_start3A_218 = arith.constant 384 : i32
        %dma_start3A_219 = tpu.memref_slice %arg5[%dma_start3A_218] : memref<512xi32, #tpu.memory_space<vmem>> -> memref<128xi32, #tpu.memory_space<vmem>>
        %dma_start3A_220 = arith.constant 0 : i32
        %dma_start3A_221 = arith.constant 0 : i32
        %dma_start3A_222 = tpu.memref_slice %arg3[%dma_start3A_220, %dma_start3A_221] : memref<1000000x32xf32, #tpu.memory_space<hbm>> -> memref<1000000x32xf32, #tpu.memory_space<hbm>>
        tpu.enqueue_indirect_dma source(%dma_start3A_222 : memref<1000000x32xf32, #tpu.memory_space<hbm>>) target(%dma_start3A_217 : memref<128x32xf32, #tpu.memory_space<vmem>>) offsets(%dma_start3A_219 : memref<128xi32, #tpu.memory_space<vmem>>) semaphore(%arg9 : memref<!tpu.dma_semaphore, #tpu.memory_space<semaphore_mem>>)
      } else {
      }
      %dma_wait3A_138 = arith.constant 0 : i32
      %dma_wait3A_139 = arith.constant 0 : i32
      %dma_wait3A_140 = tpu.memref_slice %arg8[%dma_wait3A_138, %dma_wait3A_139] : memref<512x32xf32, #tpu.memory_space<vmem>> -> memref<128x32xf32, #tpu.memory_space<vmem>>
      %dma_wait3A_141 = arith.constant 0 : i32
      %dma_wait3A_142 = tpu.memref_slice %arg6[%dma_wait3A_141] : memref<512xi32, #tpu.memory_space<vmem>> -> memref<128xi32, #tpu.memory_space<vmem>>
      %dma_wait3A_143 = arith.constant 0 : i32
      %dma_wait3A_144 = arith.constant 0 : i32
      %dma_wait3A_145 = tpu.memref_slice %arg3[%dma_wait3A_143, %dma_wait3A_144] : memref<1000000x32xf32, #tpu.memory_space<hbm>> -> memref<1000000x32xf32, #tpu.memory_space<hbm>>
      tpu.wait_indirect_dma semaphore(%arg10 : memref<!tpu.dma_semaphore, #tpu.memory_space<semaphore_mem>>) src(%dma_wait3A_145 : memref<1000000x32xf32, #tpu.memory_space<hbm>>) dst(%dma_wait3A_140 : memref<128x32xf32, #tpu.memory_space<vmem>>)
      %dma_wait3A_146 = arith.constant 128 : i32
      %dma_wait3A_147 = arith.constant 0 : i32
      %dma_wait3A_148 = tpu.memref_slice %arg8[%dma_wait3A_146, %dma_wait3A_147] : memref<512x32xf32, #tpu.memory_space<vmem>> -> memref<128x32xf32, #tpu.memory_space<vmem>>
      %dma_wait3A_149 = arith.constant 128 : i32
      %dma_wait3A_150 = tpu.memref_slice %arg6[%dma_wait3A_149] : memref<512xi32, #tpu.memory_space<vmem>> -> memref<128xi32, #tpu.memory_space<vmem>>
      %dma_wait3A_151 = arith.constant 0 : i32
      %dma_wait3A_152 = arith.constant 0 : i32
      %dma_wait3A_153 = tpu.memref_slice %arg3[%dma_wait3A_151, %dma_wait3A_152] : memref<1000000x32xf32, #tpu.memory_space<hbm>> -> memref<1000000x32xf32, #tpu.memory_space<hbm>>
      tpu.wait_indirect_dma semaphore(%arg10 : memref<!tpu.dma_semaphore, #tpu.memory_space<semaphore_mem>>) src(%dma_wait3A_153 : memref<1000000x32xf32, #tpu.memory_space<hbm>>) dst(%dma_wait3A_148 : memref<128x32xf32, #tpu.memory_space<vmem>>)
      %dma_wait3A_154 = arith.constant 256 : i32
      %dma_wait3A_155 = arith.constant 0 : i32
      %dma_wait3A_156 = tpu.memref_slice %arg8[%dma_wait3A_154, %dma_wait3A_155] : memref<512x32xf32, #tpu.memory_space<vmem>> -> memref<128x32xf32, #tpu.memory_space<vmem>>
      %dma_wait3A_157 = arith.constant 256 : i32
      %dma_wait3A_158 = tpu.memref_slice %arg6[%dma_wait3A_157] : memref<512xi32, #tpu.memory_space<vmem>> -> memref<128xi32, #tpu.memory_space<vmem>>
      %dma_wait3A_159 = arith.constant 0 : i32
      %dma_wait3A_160 = arith.constant 0 : i32
      %dma_wait3A_161 = tpu.memref_slice %arg3[%dma_wait3A_159, %dma_wait3A_160] : memref<1000000x32xf32, #tpu.memory_space<hbm>> -> memref<1000000x32xf32, #tpu.memory_space<hbm>>
      tpu.wait_indirect_dma semaphore(%arg10 : memref<!tpu.dma_semaphore, #tpu.memory_space<semaphore_mem>>) src(%dma_wait3A_161 : memref<1000000x32xf32, #tpu.memory_space<hbm>>) dst(%dma_wait3A_156 : memref<128x32xf32, #tpu.memory_space<vmem>>)
      %dma_wait3A_162 = arith.constant 384 : i32
      %dma_wait3A_163 = arith.constant 0 : i32
      %dma_wait3A_164 = tpu.memref_slice %arg8[%dma_wait3A_162, %dma_wait3A_163] : memref<512x32xf32, #tpu.memory_space<vmem>> -> memref<128x32xf32, #tpu.memory_space<vmem>>
      %dma_wait3A_165 = arith.constant 384 : i32
      %dma_wait3A_166 = tpu.memref_slice %arg6[%dma_wait3A_165] : memref<512xi32, #tpu.memory_space<vmem>> -> memref<128xi32, #tpu.memory_space<vmem>>
      %dma_wait3A_167 = arith.constant 0 : i32
      %dma_wait3A_168 = arith.constant 0 : i32
      %dma_wait3A_169 = tpu.memref_slice %arg3[%dma_wait3A_167, %dma_wait3A_168] : memref<1000000x32xf32, #tpu.memory_space<hbm>> -> memref<1000000x32xf32, #tpu.memory_space<hbm>>
      tpu.wait_indirect_dma semaphore(%arg10 : memref<!tpu.dma_semaphore, #tpu.memory_space<semaphore_mem>>) src(%dma_wait3A_169 : memref<1000000x32xf32, #tpu.memory_space<hbm>>) dst(%dma_wait3A_164 : memref<128x32xf32, #tpu.memory_space<vmem>>)
      %mul3A_170 = arith.constant 512 : i32
      %mul3A_171 = arith.muli %add3A_56, %mul3A_170 : i32
      %add3A_172 = arith.addi %mul3A_2, %mul3A_171 : i32
      %dma_start3A_173 = arith.constant 0 : i32
      %dma_start3A_174 = tpu.memref_slice %arg4[%add3A_172, %dma_start3A_173] : memref<819200x128xf32, #tpu.memory_space<hbm>> -> memref<512x32xf32, #tpu.memory_space<hbm>>
      %dma_start3A_175 = arith.constant 0 : i32
      %dma_start3A_176 = tpu.memref_slice %arg4[%add3A_172, %dma_start3A_175] : memref<819200x128xf32, #tpu.memory_space<hbm>> -> memref<512x32xf32, #tpu.memory_space<hbm>>
      tpu.enqueue_dma source(%arg8 : memref<512x32xf32, #tpu.memory_space<vmem>>) target(%dma_start3A_176 : memref<512x32xf32, #tpu.memory_space<hbm>>) target_semaphore(%arg12 : memref<!tpu.dma_semaphore, #tpu.memory_space<semaphore_mem>>)
    }
    %scan3A_40 = arith.constant 25 : i32
    %add3A_41 = arith.constant 24576 : i32
    %add3A_42 = arith.addi %mul3A_2, %add3A_41 : i32
    %dma_wait3A = arith.constant 0 : i32
    %dma_wait3A_43 = tpu.memref_slice %arg4[%add3A_42, %dma_wait3A] : memref<819200x128xf32, #tpu.memory_space<hbm>> -> memref<512x32xf32, #tpu.memory_space<hbm>>
    %dma_wait3A_44 = arith.constant 0 : i32
    %dma_wait3A_45 = tpu.memref_slice %arg4[%add3A_42, %dma_wait3A_44] : memref<819200x128xf32, #tpu.memory_space<hbm>> -> memref<512x32xf32, #tpu.memory_space<hbm>>
    tpu.wait_dma2 semaphore(%arg11 : memref<!tpu.dma_semaphore, #tpu.memory_space<semaphore_mem>>) src(%arg7 : memref<512x32xf32, #tpu.memory_space<vmem>>) dst(%dma_wait3A_45 : memref<512x32xf32, #tpu.memory_space<hbm>>)
    %add3A_46 = arith.constant 25088 : i32
    %add3A_47 = arith.addi %mul3A_2, %add3A_46 : i32
    %dma_wait3A_48 = arith.constant 0 : i32
    %dma_wait3A_49 = tpu.memref_slice %arg4[%add3A_47, %dma_wait3A_48] : memref<819200x128xf32, #tpu.memory_space<hbm>> -> memref<512x32xf32, #tpu.memory_space<hbm>>
    %dma_wait3A_50 = arith.constant 0 : i32
    %dma_wait3A_51 = tpu.memref_slice %arg4[%add3A_47, %dma_wait3A_50] : memref<819200x128xf32, #tpu.memory_space<hbm>> -> memref<512x32xf32, #tpu.memory_space<hbm>>
    tpu.wait_dma2 semaphore(%arg12 : memref<!tpu.dma_semaphore, #tpu.memory_space<semaphore_mem>>) src(%arg8 : memref<512x32xf32, #tpu.memory_space<vmem>>) dst(%dma_wait3A_51 : memref<512x32xf32, #tpu.memory_space<hbm>>)
    return
  }
}

</mosaic_0001>

<sc_bundles>
// kernel: kernel.3.cloned.1.call-start
scs
__scs_entry_jumppad:
0x0: {  	(pc) =	sbr.rel $0x88, $3  }
0x1: {  	(tag) =	ssettag $0x0;
	lr =	simm.s32 $0x1  }
0x2: {  	[smem:$0x3F9F] =	sst lr;
	_ =	strace $0xD0000000  }
0x3: {  	_ = 	snop  }
0x4: {  	_ = 	snop  }
0x5: {  	_ = 	snop  }
0x6: {  	_ = 	snop  }
0x7: {  	_ = 	snop  }
__scs_overlays_trampoline_lowered:
0x8: {  	[smem:$0x3FAE] =	sst s0  }
0x9: {  	[smem:$0x3FAF] =	sst s1  }
0xa: {  	[smem:$0x3FB0] =	sst s2  }
0xb: {  	[smem:$0x3FB1] =	sst s3  }
0xc: {  	[smem:$0x3FB2] =	sst s4  }
0xd: {  	[smem:$0x3FB3] =	sst s5  }
0xe: {  	[smem:$0x3FB4] =	sst s6  }
0xf: {  	[smem:$0x3FB5] =	sst s7  }
0x10: {  	[smem:$0x3FB6] =	sst s8  }
0x11: {  	[smem:$0x3FB7] =	sst s9;
	s0 =	simm.s32 @!p0 $0x0  }
0x12: {  	s1 =	sld [smem:$0x3F9D];
	s0 =	simm.s32 @p0 $0x1  }
0x13: {  	[smem:$0x3FB8] =	sst s0;
	s0 =	simm.s32 @!p1 $0x0  }
0x14: {  	s2 =	sld [smem:$0x3F9C];
	s0 =	simm.s32 @p1 $0x1  }
0x15: {  	[smem:$0x3FB9] =	sst s0;
	s0 =	simm.s32 @!p2 $0x0  }
0x16: {  	s3 =	sld [smem:$0x3FDB];
	s0 =	simm.s32 @p2 $0x1  }
0x17: {  	s4 =	simm.s32 $0x1BF5;
	[smem:$0x3FBB] =	sst s0  }
0x18: {  	s0 =	sld [smem:$0x3F9E];
	_ =	swait.ge [sflag:s4], $0x0  }
0x19: {  	s7 =	sld [smem:$0x3F9F]  }
0x1a: {  	s8 =	sadd.s32 $0xFFFFE003, lr  }
0x1b: {  	s9 =	sadd.s32 $0xFFFFFEF7, lr;
	s5 =	simm.s32 $0xFFFFFFFF;
	p2 =	slt.u32 s8, $0xFFFFF086  }
0x1c: {  	p1 =	slt.u32 s9, $0xF7A;
	s5 =	simm.s32 @!p2 $0x0  }
0x1d: {  	s5 =	simm.s32 @p1 $0x1;
	p0 =	seq.s32 s7, s2  }
0x1e: {  	s7 =	smul.u32 @!p0 $0xF7A, s2;
	p2 =	seq.s32 @!p0 s5, $0x0  }
0x1f: {  	s9 =	smul.u32 $0xF7A, s1;
	s8 =	simm.s32 @!p0 $0x1BF5;
	p2 =	por !p2, p0  }
0x20: {  	[sflag:s8] =	ssyncset.s32 @!p0 $0xFFFFF086;
	s6 =	sadd.s32 @!p0 s3, s7;
	s7 =	simm.s32 @!p0 $0x108  }
0x21: {  	s3 =	sadd.s32 s3, s9;
	s6 =	sadd.s32 @!p0 $0x88, s6;
	s7 =	simm.s32 @p2 $0x1082  }
0x22: {  	[simem:s7], [sflag:s8] =	dma.local @!p0 [hbm:s6], $0xF7A  }
0x23: {  	s9 =	sor.u32 $0xD0000000, s2;
	s6 =	simm.s32 $0x108;
	_ =	swait.ge @!p0 [sflag:s8], $0x0  }
0x24: {  	s3 =	sadd.s32 $0x88, s3;
	s6 =	simm.s32 @!p1 $0x1082;
	[sflag:s4] =	ssyncset.s32 $0xFFFFF086  }
0x25: {  	[simem:s6], [sflag:s4] =	dma.local [hbm:s3], $0xF7A  }
0x26: {  	[smem:$0x3F9F] =	sst s1;
	(tag) =	ssettag s2;
	_ =	strace s9  }
0x27: {  	s1 =	sld [smem:$0x3FAF]  }
0x28: {  	s2 =	sld [smem:$0x3FB0]  }
0x29: {  	s4 =	sld [smem:$0x3FB2]  }
0x2a: {  	p0 =	seq.s32 s5, $0x0;
	s5 =	sld [smem:$0x3FB3]  }
0x2b: {  	s6 =	sld [smem:$0x3FB4]  }
0x2c: {  	s7 =	sld [smem:$0x3FB5]  }
0x2d: {  	s3 =	simm.s32 $0x108;
	s8 =	sld [smem:$0x3FB6]  }
0x2e: {  	s3 =	simm.s32 @!p0 $0x1082;
	s9 =	sld [smem:$0x3FB7]  }
0x2f: {  	lr =	sadd.s32 s0, s3;
	s0 =	sld [smem:$0x3FAE]  }
0x30: {  	s3 =	sld [smem:$0x3FB1]  }
0x31: {  	[smem:$0x3FBA] =	sst s10  }
0x32: {  	s10 =	sld [smem:$0x3FB8];
	_ =	sdelay $0x3  }
0x33: {  	p0 =	seq.s32 s10, $0x1;
	s10 =	sld [smem:$0x3FBA];
	_ =	sdelay $0x3  }
0x34: {  	[smem:$0x3FBA] =	sst s10  }
0x35: {  	s10 =	sld [smem:$0x3FB9];
	_ =	sdelay $0x3  }
0x36: {  	p1 =	seq.s32 s10, $0x1;
	s10 =	sld [smem:$0x3FBA];
	_ =	sdelay $0x3  }
0x37: {  	[smem:$0x3FBA] =	sst s10  }
0x38: {  	s10 =	sld [smem:$0x3FBB]  }
0x39: {  	_ = 	snop;
	(pc) =	sbr.ind lr, $3  }
0x3a: {  	_ = 	snop  }
0x3b: {  	_ = 	snop  }
0x3c: {  	p2 =	seq.s32 s10, $0x1;
	s10 =	sld [smem:$0x3FBA]  }
0x3d: {  	_ =	shalt  }
0x3e: {  	_ =	shalt  }
0x3f: {  	_ =	shalt  }
0x40: {  	_ =	shalt  }
0x41: {  	_ =	shalt  }
0x42: {  	_ =	shalt  }
0x43: {  	_ =	shalt  }
0x44: {  	_ =	shalt  }
0x45: {  	_ =	shalt  }
0x46: {  	_ =	shalt  }
0x47: {  	_ =	shalt  }
0x48: {  	_ =	shalt  }
0x49: {  	_ =	shalt  }
0x4a: {  	_ =	shalt  }
0x4b: {  	_ =	shalt  }
0x4c: {  	_ =	shalt  }
0x4d: {  	_ =	shalt  }
0x4e: {  	_ =	shalt  }
0x4f: {  	_ =	shalt  }
0x50: {  	_ =	shalt  }
0x51: {  	_ =	shalt  }
0x52: {  	_ =	shalt  }
0x53: {  	_ =	shalt  }
0x54: {  	_ =	shalt  }
0x55: {  	_ =	shalt  }
0x56: {  	_ =	shalt  }
0x57: {  	_ =	shalt  }
0x58: {  	_ =	shalt  }
0x59: {  	_ =	shalt  }
0x5a: {  	_ =	shalt  }
0x5b: {  	_ =	shalt  }
0x5c: {  	_ =	shalt  }
0x5d: {  	_ =	shalt  }
0x5e: {  	_ =	shalt  }
0x5f: {  	_ =	shalt  }
0x60: {  	_ =	shalt  }
0x61: {  	_ =	shalt  }
0x62: {  	_ =	shalt  }
0x63: {  	_ =	shalt  }
0x64: {  	_ =	shalt  }
0x65: {  	_ =	shalt  }
0x66: {  	_ =	shalt  }
0x67: {  	_ =	shalt  }
0x68: {  	_ =	shalt  }
0x69: {  	_ =	shalt  }
0x6a: {  	_ =	shalt  }
0x6b: {  	_ =	shalt  }
0x6c: {  	_ =	shalt  }
0x6d: {  	_ =	shalt  }
0x6e: {  	_ =	shalt  }
0x6f: {  	_ =	shalt  }
0x70: {  	_ =	shalt  }
0x71: {  	_ =	shalt  }
0x72: {  	_ =	shalt  }
0x73: {  	_ =	shalt  }
0x74: {  	_ =	shalt  }
0x75: {  	_ =	shalt  }
0x76: {  	_ =	shalt  }
0x77: {  	_ =	shalt  }
0x78: {  	_ =	shalt  }
0x79: {  	_ =	shalt  }
0x7a: {  	_ =	shalt  }
0x7b: {  	_ =	shalt  }
0x7c: {  	_ =	shalt  }
0x7d: {  	_ =	shalt  }
0x7e: {  	_ =	shalt  }
0x7f: {  	_ =	shalt  }
0x80: {  	_ =	shalt  }
0x81: {  	_ =	shalt  }
0x82: {  	_ =	shalt  }
0x83: {  	_ =	shalt  }
0x84: {  	_ =	shalt  }
0x85: {  	_ =	shalt  }
0x86: {  	_ =	shalt  }
0x87: {  	_ =	shalt  }
.Lfunc_end0:
.L_simem_size_0:
called_computation.1_lowered:
.L_overlay_start_0:
0x88: {  	s2 =	sld [smem:$0x3FD9]  }
0x89: {  	s3 =	sld [smem:$0x3FFE];
	_ =	sdelay $0x1  }
0x8a: {  	s1 =	srdreg.scid  }
0x8b: {  	s0 =	sand.u32 $0x1, s1  }
0x8c: {  	s17 =	sshll.u32 s0, $0xA;
	s2 =	sadd.s32 s3, s2  }
0x8d: {  	s2 =	sadd.s32 s2, s17  }
0x8e: {  	[smem:$0x3FC6] =	sst s2  }
0x8f: {  	_ = 	snop  }
0x90: {  	s2 =	sld [smem:$0x3FD0];
	(tm) =	ssettm $0x1  }
0x91: {  	s18 =	sld [smem:$0x3FFB];
	_ =	sdelay $0x3  }
0x92: {  	_ =	strace s18  }
0x93: {  	s3 =	sld [smem:$0x3FFC];
	_ =	sdelay $0x3  }
0x94: {  	_ =	strace s3  }
0x95: {  	s3 =	sld [smem:$0x3FFD];
	_ =	sdelay $0x3  }
0x96: {  	_ =	strace s3  }
0x97: {  	_ =	strace $0x8FFFFFFF  }
0x98: {  	s19 =	sld [smem:$0x3FDB];
	_ =	sdelay $0x1  }
0x99: {  	s4 =	simm.s32 $_scs_section_size  }
0x9a: {  	s5 =	simm.s32 $_size__tile_overlayer_lowered;
	s6 =	simm.s32 $_tile_overlayer_lowered  }
0x9b: {  	s22 =	simm.s32 $0x1BFF;
	s21 =	sshll.u32 s6, $0x1;
	s3 =	sadd.s32 s4, s19  }
0x9c: {  	s7 =	simm.s32 $0x0;
	s20 =	sshll.u32 s5, $0x1;
	s5 =	sadd.s32 s21, s3  }
0x9d: {  	[timem:s7], [sflag:s22] =	dma.local [hbm:s5], s20  }
0x9e: {  	_ =	swait.ge [sflag:s22], s20  }
0x9f: {  	s4 =	ssub.s32 $0x0, s20;
	[sflag:s22] =	ssyncset.done $0x0  }
0xa0: {  	[sflag:s22] =	ssyncadd.s32 s4;
	_ =	sdelay $0x1  }
0xa1: {  	s23 =	simm.s32 $0x1B8B  }
0xa2: {  	_ =	swait.ge [sflag:s23], $0x1  }
0xa3: {  	[sflag:s23] =	ssyncset.done $0x0  }
0xa4: {  	s25 =	simm.s32 $0x1B8E;
	s24 =	sld [smem:$0x3FFE];
	[sflag:s23] =	ssyncadd.s32 $0xFFFFFFFF  }
0xa5: {  	s26 =	simm.s32 $execute0_lowered;
	[smem:$0x3FD2] =	sst s25  }
0xa6: {  	s5 =	sshll.u32 s26, $0x1;
	_ =	strace $0x80000046;
	[dreg:$0x1] =	wrdreg $0xFFFFFFFF  }
0xa7: {  	s28 =	simm.s32 $_size_execute0_lowered;
	s3 =	sadd.s32 s3, s5;
	[dreg:$0x0] =	wrdreg $0x0  }
0xa8: {  	s5 =	sshll.u32 s28, $0x1;
	[dreg:$0x2] =	wrdreg s3  }
0xa9: {  	[dreg:$0x3] =	wrdreg s5  }
0xaa: {  	[dreg:$0x4] =	wrdreg $0xC0  }
0xab: {  	_ =	task [dreg:s7], $0x5FFFF  }
0xac: {  	[dreg:$0x1] =	wrdreg $0xFFFFFFFF  }
0xad: {  	[dreg:$0x0] =	wrdreg $0x60  }
0xae: {  	[dreg:$0x2] =	wrdreg s2  }
0xaf: {  	[dreg:$0x3] =	wrdreg s24  }
0xb0: {  	[dreg:$0x4] =	wrdreg $0x9  }
0xb1: {  	_ =	task.clear_ibuf [dreg:s7], $0x5FFFF;
	_ =	strace $0x90000046  }
0xb2: {  	s29 =	simm.s32 $0x9;
	_ =	strace $0x80000048  }
0xb3: {  	_ =	swait.ge [sflag:s29], $0x1  }
0xb4: {  	[sflag:s29] =	ssyncadd.s32 $0xFFFFFFFF  }
0xb5: {  	_ =	strace $0x90000048  }
0xb6: {  	_ =	sfence  }
0xb7: {  	s30 =	sld [smem:$0x0];
	_ =	sdelay $0x2  }
0xb8: {  	s31 =	sshll.u32 s1, $0xD;
	s1 =	sshrl.u32 s1, $0x2  }
0xb9: {  	s3 =	sand.u32 $0x4000, s31;
	s1 =	sadd.s32 s1, s30  }
0xba: {  	s0 =	sor.u32 s3, s0;
	s1 =	sshll.u32 s1, $0x11  }
0xbb: {  	s0 =	sor.u32 s1, s0  }
0xbc: {  	s0 =	sadd.s32 $0x8F2B, s0  }
0xbd: {  	[sflag:s0] =	ssyncadd.remote.s32 $0x1  }
0xbe: {  	_ =	sfence.sel $0xFFFF  }
0xbf: {  	[dreg:$0x0] =	wrdreg $0xFFFFFFFF;
	(pc) =	sbr.abs _section_cstart, $3  }
0xc0: {  	[dreg:$0x1] =	wrdreg $0xFFFFFFFF  }
0xc1: {  	_ =	task.clear_ibuf [dreg:s7], $0x2FFFF;
	_ =	strace $0x9FFFFFFF  }
0xc2: {  	(tm) =	ssettm $0x7FFFFFFF  }
0xc3: {  	_ =	shalt  }
tec
execute0_lowered:
.L_overlay_start_1:
0x0: {  	(tag) =	ssettag $0x1  }
0x1: {  	s1 =	rddreg [dreg:$0x0]  }
0x2: {  	s0 =	rddreg [dreg:$0x1];
	s3 =	simm.s32 $0x0  }
0x3: {  	s2 =	srdreg.scid;
	s8 =	stileid.u32;
	s11 =	simm.s32 $0x400  }
0x4: {  	s28 =	simm.s32 $0x280;
	s16 =	simm.s32 $0x3400;
	s29 =	simm.s32 $0x5400  }
0x5: {  	s17 =	simm.s32 $0x200;
	s30 =	simm.s32 $0x300;
	s18 =	simm.s32 $0x4400  }
0x6: {  	s31 =	simm.s32 $0x6400;
	s19 =	simm.s32 $0x380;
	s20 =	simm.s32 $0x7400  }
0x7: {  	s21 =	simm.s32 $0x1;
	s22 =	simm.s32 $0x20;
	[smem:$0x7FF] =	sst s3  }
0x8: {  	s2 =	sand.u32 $0x1, s2;
	s5 =	smul.u32 $0x640000, s8;
	s4 =	sadd.s32 $0xF42E00, s0  }
0x9: {  	s7 =	sshll.u32 s8, $0x1;
	s8 =	smul.u32 $0xC800, s8;
	s0 =	sadd.s32 $0xA00, s0  }
0xa: {  	_ =	strace $0x80000047;
	s6 =	smul.u32 $0x320000, s2;
	[dreg:$0x5] =	wrdreg s28  }
0xb: {  	s9 =	ssub.s32 $0x2, s2;
	s7 =	sor.u32 s2, s7;
	[dreg:$0x6] =	wrdreg s29  }
0xc: {  	s2 =	smul.u32 $0x6400, s2;
	[dreg:$0x7] =	wrdreg s30;
	s10 =	sshrl.u32 s9, $0x1  }
0xd: {  	[dreg:$0x8] =	wrdreg s31;
	s7 =	smul.u32 $0x6400, s7;
	s9 =	ssub.s32 s9, s10  }
0xe: {  	s5 =	sadd.s32 s6, s5;
	s2 =	sadd.s32 s2, s8;
	s10 =	simm.s32 $0x80  }
0xf: {  	s23 =	sshrl.u32 s7, $0x3;
	s24 =	sshrl.u32 s5, $0x3;
	s8 =	sor.u32 $0x200, s2  }
0x10: {  	s6 =	smax.u32 s9, $0x1;
	s9 =	simm.s32 $0x5;
	s5 =	sadd.s32 s1, s23  }
0x11: {  	s7 =	sadd.s32 s24, s0;
	s25 =	sshll.u32 s8, $0x4;
	s26 =	sshrl.u32 s8, $0x3  }
0x12: {  	s23 =	simm.s32 $0x2;
	s24 =	simm.s32 $0x3;
	[dreg:$0x3] =	wrdreg s7  }
0x13: {  	s0 =	sadd.s32 s25, s0;
	s7 =	sadd.s32 $0x400, s2;
	s8 =	sadd.s32 s26, s1  }
0x14: {  	s25 =	simm.s32 $0x4;
	s26 =	simm.s32 $0x0;
	[dreg:$0x4] =	wrdreg s0  }
.LBB2_1:
0x15: {  	[tilespmem:s3], [sflag:$0x5] =	stream.linear.gather [hbm4b:s5+s3], $0x200, $0x38;
	[tilespmem:$0x8400] =	vst v63  }
0x16: {  	_ =	swait.ge [sflag:s9], $0x200  }
0x17: {  	[sflag:s9] =	ssyncset.done $0x0  }
0x18: {  	[sflag:s9] =	ssyncadd.s32 $0xFFFFFE00  }
0x19: {  	[tilespmem:s11], [sflag:$0x1] =	stream.indirect.gather [hbm4b:s4+s10], $0x20, s3, s10, $0xb8;
	[tilespmem:$0x8400] =	vst v63  }
0x1a: {  	s0 =	simm.s32 $0x1400;
	p0 =	por $0x1, $0x1  }
0x1b: {  	[tilespmem:s0], [sflag:$0x1] =	stream.indirect.gather [hbm4b:s4+s10], $0x20, s10, s10, $0xb8;
	[tilespmem:$0x8400] =	vst v63  }
0x1c: {  	s15 =	simm.s32 $0x100;
	s2 =	simm.s32 $0x2400;
	p0 =	por p0, p0  }
0x1d: {  	[tilespmem:s2], [sflag:$0x1] =	stream.indirect.gather [hbm4b:s4+s10], $0x20, s15, s10, $0xb8;
	[tilespmem:$0x8400] =	vst v63  }
0x1e: {  	s12 =	simm.s32 $0x180;
	s0 =	simm.s32 @!p0 $0x4  }
0x1f: {  	[tilespmem:s16], [sflag:$0x1] =	stream.indirect.gather [hbm4b:s4+s10], $0x20, s12, s10, $0xb8;
	[tilespmem:$0x8400] =	vst v63  }
0x20: {  	_ =	swait.ge @!p0 [sflag:s0], $0x4000  }
0x21: {  	[sflag:s0] =	ssyncset.done @!p0 $0x0  }
0x22: {  	[sflag:s0] =	ssyncadd.s32 @!p0 $0xFFFFC000  }
0x23: {  	[tilespmem:s17], [sflag:$0x5] =	stream.linear.gather [hbm4b:s8+s3], $0x200, $0x38;
	[tilespmem:$0x8400] =	vst v63  }
0x24: {  	_ =	swait.ge [sflag:s9], $0x200  }
0x25: {  	s13 =	rddreg [dreg:$0x7];
	[sflag:s9] =	ssyncset.done $0x0  }
0x26: {  	s14 =	rddreg [dreg:$0x5];
	[sflag:s9] =	ssyncadd.s32 $0xFFFFFE00  }
0x27: {  	[tilespmem:s18], [sflag:$0x2] =	stream.indirect.gather [hbm4b:s4+s10], $0x20, s17, s10, $0xb8;
	[tilespmem:$0x8400] =	vst v63  }
0x28: {  	s28 =	rddreg [dreg:$0x6]  }
0x29: {  	[tilespmem:s28], [sflag:$0x2] =	stream.indirect.gather [hbm4b:s4+s10], $0x20, s14, s10, $0xb8;
	[tilespmem:$0x8400] =	vst v63  }
0x2a: {  	s29 =	rddreg [dreg:$0x8]  }
0x2b: {  	[tilespmem:s29], [sflag:$0x2] =	stream.indirect.gather [hbm4b:s4+s10], $0x20, s13, s10, $0xb8;
	[tilespmem:$0x8400] =	vst v63  }
0x2c: {  	_ = 	snop  }
0x2d: {  	[tilespmem:s20], [sflag:$0x2] =	stream.indirect.gather [hbm4b:s4+s10], $0x20, s19, s10, $0xb8;
	[tilespmem:$0x8400] =	vst v63  }
0x2e: {  	_ =	swait.ge [sflag:s21], $0x1000  }
0x2f: {  	[sflag:s21] =	ssyncset.done $0x0  }
0x30: {  	[sflag:s21] =	ssyncadd.s32 $0xFFFFF000  }
0x31: {  	_ =	swait.ge [sflag:s21], $0x1000  }
0x32: {  	[sflag:s21] =	ssyncset.done $0x0  }
0x33: {  	[sflag:s21] =	ssyncadd.s32 $0xFFFFF000  }
0x34: {  	_ =	swait.ge [sflag:s21], $0x1000  }
0x35: {  	[sflag:s21] =	ssyncset.done $0x0  }
0x36: {  	[sflag:s21] =	ssyncadd.s32 $0xFFFFF000  }
0x37: {  	_ =	swait.ge [sflag:s21], $0x1000  }
0x38: {  	p0 =	por $0x0, $0x0;
	s15 =	rddreg [dreg:$0x3];
	[sflag:s21] =	ssyncset.done $0x0  }
0x39: {  	s2 =	simm.s32 @!p0 $0x3;
	[sflag:s21] =	ssyncadd.s32 $0xFFFFF000;
	s0 =	sadd.s32 $0x0, s15  }
0x3a: {  	[hbm4b:s0+s22] =	stream.strided.scatter [tilespmem:s11], [sflag:$0x3], $0x4000, s10, s22, $0x38;
	[tilespmem:$0x8400] =	vst v63  }
0x3b: {  	_ =	swait.ge @!p0 [sflag:s2], $0x4000  }
0x3c: {  	s28 =	simm.s32 @!p0 $0x0;
	s0 =	sshrl.u32 @!p0 s7, $0x3;
	[sflag:s2] =	ssyncset.done @!p0 $0x0  }
0x3d: {  	s0 =	sadd.s32 @!p0 s1, s0;
	[sflag:s2] =	ssyncadd.s32 @!p0 $0xFFFFC000;
	s2 =	simm.s32 @!p0 $0x5  }
0x3e: {  	[tilespmem:s28], [sflag:$0x5] =	stream.linear.gather @!p0 [hbm4b:s0+s28], $0x200, $0x38;
	[tilespmem:$0x8400] =	vst v63  }
0x3f: {  	_ =	swait.ge @!p0 [sflag:s2], $0x200  }
0x40: {  	[sflag:s2] =	ssyncset.done @!p0 $0x0  }
0x41: {  	s29 =	simm.s32 @!p0 $0x400;
	s0 =	simm.s32 @!p0 $0x80;
	[sflag:s2] =	ssyncadd.s32 @!p0 $0xFFFFFE00  }
0x42: {  	[tilespmem:s29], [sflag:$0x1] =	stream.indirect.gather @!p0 [hbm4b:s4+s0], $0x20, s28, s0, $0xb8;
	[tilespmem:$0x8400] =	vst v63  }
0x43: {  	s2 =	simm.s32 @!p0 $0x1400  }
0x44: {  	[tilespmem:s2], [sflag:$0x1] =	stream.indirect.gather @!p0 [hbm4b:s4+s0], $0x20, s0, s0, $0xb8;
	[tilespmem:$0x8400] =	vst v63  }
0x45: {  	s28 =	simm.s32 @!p0 $0x2400;
	s2 =	simm.s32 @!p0 $0x100  }
0x46: {  	[tilespmem:s28], [sflag:$0x1] =	stream.indirect.gather @!p0 [hbm4b:s4+s0], $0x20, s2, s0, $0xb8;
	[tilespmem:$0x8400] =	vst v63  }
0x47: {  	s2 =	simm.s32 @!p0 $0x180;
	s28 =	simm.s32 @!p0 $0x3400  }
0x48: {  	[tilespmem:s28], [sflag:$0x1] =	stream.indirect.gather @!p0 [hbm4b:s4+s0], $0x20, s2, s0, $0xb8;
	[tilespmem:$0x8400] =	vst v63  }
0x49: {  	_ =	swait.ge [sflag:s23], $0x1000  }
0x4a: {  	[sflag:s23] =	ssyncset.done $0x0  }
0x4b: {  	[sflag:s23] =	ssyncadd.s32 $0xFFFFF000  }
0x4c: {  	_ =	swait.ge [sflag:s23], $0x1000  }
0x4d: {  	[sflag:s23] =	ssyncset.done $0x0  }
0x4e: {  	[sflag:s23] =	ssyncadd.s32 $0xFFFFF000  }
0x4f: {  	_ =	swait.ge [sflag:s23], $0x1000  }
0x50: {  	[sflag:s23] =	ssyncset.done $0x0  }
0x51: {  	p6 =	por $0x0, $0x0;
	s31 =	simm.s32 $0x8000;
	[sflag:s23] =	ssyncadd.s32 $0xFFFFF000  }
0x52: {  	s30 =	sadd.s32 $0x80, s8;
	s29 =	sadd.s32 $0x400, s7;
	_ =	swait.ge [sflag:s23], $0x1000  }
0x53: {  	s28 =	simm.s32 $0x4000;
	p0 =	por p6, p6;
	[sflag:s23] =	ssyncset.done $0x0  }
0x54: {  	s0 =	simm.s32 $0x0;
	s2 =	rddreg [dreg:$0x4];
	[sflag:s23] =	ssyncadd.s32 $0xFFFFF000  }
.LBB2_2:
0x55: {  	s12 =	simm.s32 @!p0 $0x4;
	s2 =	sadd.s32 s0, s2  }
0x56: {  	[hbm4b:s2+s22] =	stream.strided.scatter [tilespmem:s18], [sflag:$0x4], $0x4000, s10, s22, $0x38;
	[tilespmem:$0x8400] =	vst v63  }
0x57: {  	_ =	swait.ge @!p0 [sflag:s12], $0x4000  }
0x58: {  	[sflag:s12] =	ssyncset.done @!p0 $0x0  }
0x59: {  	[sflag:s12] =	ssyncadd.s32 @!p0 $0xFFFFC000  }
0x5a: {  	[tilespmem:s17], [sflag:$0x5] =	stream.linear.gather [hbm4b:s30+s3], $0x200, $0x38;
	[tilespmem:$0x8400] =	vst v63  }
0x5b: {  	_ =	swait.ge [sflag:s9], $0x200  }
0x5c: {  	[sflag:s9] =	ssyncset.done $0x0;
	s2 =	rddreg [dreg:$0x7]  }
0x5d: {  	s15 =	rddreg [dreg:$0x5];
	[sflag:s9] =	ssyncadd.s32 $0xFFFFFE00  }
0x5e: {  	[tilespmem:s18], [sflag:$0x2] =	stream.indirect.gather [hbm4b:s4+s10], $0x20, s17, s10, $0xb8;
	[tilespmem:$0x8400] =	vst v63  }
0x5f: {  	s13 =	rddreg [dreg:$0x6]  }
0x60: {  	[tilespmem:s13], [sflag:$0x2] =	stream.indirect.gather [hbm4b:s4+s10], $0x20, s15, s10, $0xb8;
	[tilespmem:$0x8400] =	vst v63  }
0x61: {  	s14 =	rddreg [dreg:$0x8]  }
0x62: {  	[tilespmem:s14], [sflag:$0x2] =	stream.indirect.gather [hbm4b:s4+s10], $0x20, s2, s10, $0xb8;
	[tilespmem:$0x8400] =	vst v63  }
0x63: {  	_ = 	snop  }
0x64: {  	[tilespmem:s20], [sflag:$0x2] =	stream.indirect.gather [hbm4b:s4+s10], $0x20, s19, s10, $0xb8;
	[tilespmem:$0x8400] =	vst v63  }
0x65: {  	_ =	swait.ge [sflag:s21], $0x1000  }
0x66: {  	[sflag:s21] =	ssyncset.done $0x0  }
0x67: {  	[sflag:s21] =	ssyncadd.s32 $0xFFFFF000  }
0x68: {  	_ =	swait.ge [sflag:s21], $0x1000  }
0x69: {  	[sflag:s21] =	ssyncset.done $0x0  }
0x6a: {  	[sflag:s21] =	ssyncadd.s32 $0xFFFFF000  }
0x6b: {  	_ =	swait.ge [sflag:s21], $0x1000  }
0x6c: {  	[sflag:s21] =	ssyncset.done $0x0  }
0x6d: {  	p2 =	seq.s32 s31, $0x0;
	[sflag:s21] =	ssyncadd.s32 $0xFFFFF000  }
0x6e: {  	s0 =	smov.u32 s28;
	p0 =	por p2, p2;
	_ =	swait.ge [sflag:s21], $0x1000  }
0x6f: {  	p2 =	seq.s32 s0, $0x60000;
	s15 =	rddreg [dreg:$0x3];
	[sflag:s21] =	ssyncset.done $0x0  }
0x70: {  	s12 =	simm.s32 @!p2 $0x3;
	[sflag:s21] =	ssyncadd.s32 $0xFFFFF000;
	s2 =	sadd.s32 s0, s15  }
0x71: {  	[hbm4b:s2+s22] =	stream.strided.scatter [tilespmem:s11], [sflag:$0x3], $0x4000, s10, s22, $0x38;
	[tilespmem:$0x8400] =	vst v63  }
0x72: {  	s13 =	sshrl.u32 @!p2 s29, $0x3;
	_ =	swait.ge @!p2 [sflag:s12], $0x4000  }
0x73: {  	s2 =	sadd.s32 @!p2 s1, s13;
	[sflag:s12] =	ssyncset.done @!p2 $0x0  }
0x74: {  	s13 =	simm.s32 @!p2 $0x0;
	[sflag:s12] =	ssyncadd.s32 @!p2 $0xFFFFC000;
	s12 =	simm.s32 @!p2 $0x5  }
0x75: {  	[tilespmem:s13], [sflag:$0x5] =	stream.linear.gather @!p2 [hbm4b:s2+s13], $0x200, $0x38;
	[tilespmem:$0x8400] =	vst v63  }
0x76: {  	_ =	swait.ge @!p2 [sflag:s12], $0x200  }
0x77: {  	[sflag:s12] =	ssyncset.done @!p2 $0x0  }
0x78: {  	s14 =	simm.s32 @!p2 $0x400;
	s2 =	simm.s32 @!p2 $0x80;
	[sflag:s12] =	ssyncadd.s32 @!p2 $0xFFFFFE00  }
0x79: {  	[tilespmem:s14], [sflag:$0x1] =	stream.indirect.gather @!p2 [hbm4b:s4+s2], $0x20, s13, s2, $0xb8;
	[tilespmem:$0x8400] =	vst v63  }
0x7a: {  	s12 =	simm.s32 @!p2 $0x1400  }
0x7b: {  	[tilespmem:s12], [sflag:$0x1] =	stream.indirect.gather @!p2 [hbm4b:s4+s2], $0x20, s2, s2, $0xb8;
	[tilespmem:$0x8400] =	vst v63  }
0x7c: {  	s13 =	simm.s32 @!p2 $0x100;
	s14 =	simm.s32 @!p2 $0x2400  }
0x7d: {  	[tilespmem:s14], [sflag:$0x1] =	stream.indirect.gather @!p2 [hbm4b:s4+s2], $0x20, s13, s2, $0xb8;
	[tilespmem:$0x8400] =	vst v63  }
0x7e: {  	s15 =	simm.s32 @!p2 $0x3400;
	s12 =	simm.s32 @!p2 $0x180  }
0x7f: {  	[tilespmem:s15], [sflag:$0x1] =	stream.indirect.gather @!p2 [hbm4b:s4+s2], $0x20, s12, s2, $0xb8;
	[tilespmem:$0x8400] =	vst v63  }
0x80: {  	_ =	swait.ge [sflag:s23], $0x1000  }
0x81: {  	[sflag:s23] =	ssyncset.done $0x0  }
0x82: {  	[sflag:s23] =	ssyncadd.s32 $0xFFFFF000  }
0x83: {  	_ =	swait.ge [sflag:s23], $0x1000  }
0x84: {  	[sflag:s23] =	ssyncset.done $0x0  }
0x85: {  	s28 =	smov.u32 s31;
	s31 =	sadd.s32 $0x4000, s31;
	[sflag:s23] =	ssyncadd.s32 $0xFFFFF000  }
0x86: {  	p1 =	sne.s32 s31, $0x64000;
	_ =	swait.ge [sflag:s23], $0x1000  }
.Ltmp0:
0x87: {  	[sflag:s23] =	ssyncset.done $0x0;
	(pc) =	sbr.rel @p1 .LBB2_2-.Ltmp0, $4  }
0x88: {  	[sflag:s23] =	ssyncadd.s32 $0xFFFFF000  }
0x89: {  	_ =	swait.ge [sflag:s23], $0x1000  }
0x8a: {  	s30 =	sadd.s32 $0x80, s30;
	[sflag:s23] =	ssyncset.done $0x0  }
0x8b: {  	s29 =	sadd.s32 $0x400, s29;
	s2 =	rddreg [dreg:$0x4];
	[sflag:s23] =	ssyncadd.s32 $0xFFFFF000  }
0x8c: {  	s12 =	simm.s32 @!p0 $0x4;
	s0 =	sadd.s32 s0, s2  }
0x8d: {  	[hbm4b:s0+s22] =	stream.strided.scatter [tilespmem:s18], [sflag:$0x4], $0x4000, s10, s22, $0x38;
	[tilespmem:$0x8400] =	vst v63  }
0x8e: {  	_ =	swait.ge @!p0 [sflag:s12], $0x4000  }
0x8f: {  	[sflag:s12] =	ssyncset.done @!p0 $0x0  }
0x90: {  	[sflag:s12] =	ssyncadd.s32 @!p0 $0xFFFFC000  }
0x91: {  	[tilespmem:s17], [sflag:$0x5] =	stream.linear.gather [hbm4b:s30+s3], $0x200, $0x38;
	[tilespmem:$0x8400] =	vst v63  }
0x92: {  	_ =	swait.ge [sflag:s9], $0x200  }
0x93: {  	s31 =	rddreg [dreg:$0x7];
	[sflag:s9] =	ssyncset.done $0x0  }
0x94: {  	s14 =	rddreg [dreg:$0x5];
	[sflag:s9] =	ssyncadd.s32 $0xFFFFFE00  }
0x95: {  	[tilespmem:s18], [sflag:$0x2] =	stream.indirect.gather [hbm4b:s4+s10], $0x20, s17, s10, $0xb8;
	[tilespmem:$0x8400] =	vst v63  }
0x96: {  	s15 =	rddreg [dreg:$0x6]  }
0x97: {  	[tilespmem:s15], [sflag:$0x2] =	stream.indirect.gather [hbm4b:s4+s10], $0x20, s14, s10, $0xb8;
	[tilespmem:$0x8400] =	vst v63  }
0x98: {  	s13 =	rddreg [dreg:$0x8]  }
0x99: {  	[tilespmem:s13], [sflag:$0x2] =	stream.indirect.gather [hbm4b:s4+s10], $0x20, s31, s10, $0xb8;
	[tilespmem:$0x8400] =	vst v63  }
0x9a: {  	_ = 	snop  }
0x9b: {  	[tilespmem:s20], [sflag:$0x2] =	stream.indirect.gather [hbm4b:s4+s10], $0x20, s19, s10, $0xb8;
	[tilespmem:$0x8400] =	vst v63  }
0x9c: {  	_ =	swait.ge [sflag:s21], $0x1000  }
0x9d: {  	[sflag:s21] =	ssyncset.done $0x0  }
0x9e: {  	[sflag:s21] =	ssyncadd.s32 $0xFFFFF000  }
0x9f: {  	_ =	swait.ge [sflag:s21], $0x1000  }
0xa0: {  	[sflag:s21] =	ssyncset.done $0x0  }
0xa1: {  	[sflag:s21] =	ssyncadd.s32 $0xFFFFF000  }
0xa2: {  	_ =	swait.ge [sflag:s21], $0x1000  }
0xa3: {  	[sflag:s21] =	ssyncset.done $0x0  }
0xa4: {  	[sflag:s21] =	ssyncadd.s32 $0xFFFFF000  }
0xa5: {  	_ =	swait.ge [sflag:s21], $0x1000  }
0xa6: {  	p0 =	seq.s32 s28, $0x60000;
	s30 =	rddreg [dreg:$0x3];
	[sflag:s21] =	ssyncset.done $0x0  }
0xa7: {  	s2 =	simm.s32 @!p0 $0x3;
	[sflag:s21] =	ssyncadd.s32 $0xFFFFF000;
	s0 =	sadd.s32 s28, s30  }
0xa8: {  	[hbm4b:s0+s22] =	stream.strided.scatter [tilespmem:s11], [sflag:$0x3], $0x4000, s10, s22, $0x38;
	[tilespmem:$0x8400] =	vst v63  }
0xa9: {  	_ =	swait.ge @!p0 [sflag:s2], $0x4000  }
0xaa: {  	s12 =	simm.s32 @!p0 $0x0;
	s0 =	sshrl.u32 @!p0 s29, $0x3;
	[sflag:s2] =	ssyncset.done @!p0 $0x0  }
0xab: {  	s0 =	sadd.s32 @!p0 s1, s0;
	[sflag:s2] =	ssyncadd.s32 @!p0 $0xFFFFC000;
	s2 =	simm.s32 @!p0 $0x5  }
0xac: {  	[tilespmem:s12], [sflag:$0x5] =	stream.linear.gather @!p0 [hbm4b:s0+s12], $0x200, $0x38;
	[tilespmem:$0x8400] =	vst v63  }
0xad: {  	_ =	swait.ge @!p0 [sflag:s2], $0x200  }
0xae: {  	[sflag:s2] =	ssyncset.done @!p0 $0x0  }
0xaf: {  	s13 =	simm.s32 @!p0 $0x400;
	s0 =	simm.s32 @!p0 $0x80;
	[sflag:s2] =	ssyncadd.s32 @!p0 $0xFFFFFE00  }
0xb0: {  	[tilespmem:s13], [sflag:$0x1] =	stream.indirect.gather @!p0 [hbm4b:s4+s0], $0x20, s12, s0, $0xb8;
	[tilespmem:$0x8400] =	vst v63  }
0xb1: {  	s2 =	simm.s32 @!p0 $0x1400  }
0xb2: {  	[tilespmem:s2], [sflag:$0x1] =	stream.indirect.gather @!p0 [hbm4b:s4+s0], $0x20, s0, s0, $0xb8;
	[tilespmem:$0x8400] =	vst v63  }
0xb3: {  	s12 =	simm.s32 @!p0 $0x2400;
	s2 =	simm.s32 @!p0 $0x100  }
0xb4: {  	[tilespmem:s12], [sflag:$0x1] =	stream.indirect.gather @!p0 [hbm4b:s4+s0], $0x20, s2, s0, $0xb8;
	[tilespmem:$0x8400] =	vst v63  }
0xb5: {  	s2 =	simm.s32 @!p0 $0x180;
	s12 =	simm.s32 @!p0 $0x3400  }
0xb6: {  	[tilespmem:s12], [sflag:$0x1] =	stream.indirect.gather @!p0 [hbm4b:s4+s0], $0x20, s2, s0, $0xb8;
	[tilespmem:$0x8400] =	vst v63  }
0xb7: {  	_ =	swait.ge [sflag:s23], $0x1000  }
0xb8: {  	[sflag:s23] =	ssyncset.done $0x0  }
0xb9: {  	[sflag:s23] =	ssyncadd.s32 $0xFFFFF000  }
0xba: {  	_ =	swait.ge [sflag:s23], $0x1000  }
0xbb: {  	[sflag:s23] =	ssyncset.done $0x0  }
0xbc: {  	[sflag:s23] =	ssyncadd.s32 $0xFFFFF000  }
0xbd: {  	_ =	swait.ge [sflag:s23], $0x1000  }
0xbe: {  	[sflag:s23] =	ssyncset.done $0x0  }
0xbf: {  	[sflag:s23] =	ssyncadd.s32 $0xFFFFF000  }
0xc0: {  	_ =	swait.ge [sflag:s23], $0x1000  }
0xc1: {  	s31 =	rddreg [dreg:$0x4];
	[sflag:s23] =	ssyncset.done $0x0  }
0xc2: {  	s26 =	sadd.s32 $0x1, s26;
	[sflag:s23] =	ssyncadd.s32 $0xFFFFF000;
	s0 =	sadd.s32 s28, s31  }
0xc3: {  	[hbm4b:s0+s22] =	stream.strided.scatter [tilespmem:s18], [sflag:$0x4], $0x4000, s10, s22, $0x38;
	[tilespmem:$0x8400] =	vst v63  }
0xc4: {  	p0 =	sne.s32 s26, s6;
	_ =	swait.ge [sflag:s24], $0x4000  }
.Ltmp1:
0xc5: {  	[sflag:s24] =	ssyncset.done $0x0;
	(pc) =	sbr.rel @p0 .LBB2_1-.Ltmp1, $4  }
0xc6: {  	[sflag:s24] =	ssyncadd.s32 $0xFFFFC000  }
0xc7: {  	_ =	swait.ge [sflag:s25], $0x4000  }
0xc8: {  	[sflag:s25] =	ssyncset.done $0x0  }
0xc9: {  	[sflag:s25] =	ssyncadd.s32 $0xFFFFC000  }
0xca: {  	_ =	sfence.sel $0x180000  }
0xcb: {  	[bflag:$0x0] =	sbarrier.arrive $0xFFFF  }
0xcc: {  	_ =	strace $0x90000047  }
0xcd: {  	s0 =	stileid.u32;
	[bflag:$0x2] =	sbarrier.arrive $0xFFFF  }
0xce: {  	p0 =	sne.s32 s0, $0x0;
	s0 =	rddreg [dreg:$0x2]  }
0xcf: {  	s0 =	sadd.s32 @!p0 $0x100000, s0  }
0xd0: {  	[sflag:s0] =	ssyncadd.tile.s32 @!p0 $0x1;
	_ =	shalt  }
.Lfunc_end2:
_tile_overlayer_lowered:
.L_overlay_start_2:
0xd1: {  	(tag) =	ssettag $0x2  }
0xd2: {  	s0 =	rddreg [dreg:$0x0];
	s2 =	stileid.u32  }
0xd3: {  	s1 =	rddreg [dreg:$0x1];
	p0 =	sne.s32 s2, $0x0  }
0xd4: {  	s3 =	rddreg [dreg:$0x2];
	[bflag:$0x3] =	sbarrier.arrive $0xFFFF;
	s2 =	simm.s32 @!p0 $0x1C05  }
0xd5: {  	[timem:s3], [sflag:s2] =	dma.local @!p0 [hbm:s0], s1  }
0xd6: {  	s0 =	simm.s32 @!p0 $0x5  }
0xd7: {  	_ =	swait.ge @!p0 [sflag:s0], s1  }
0xd8: {  	s1 =	ssub.s32 @!p0 $0x0, s1;
	[sflag:s0] =	ssyncset.done @!p0 $0x0  }
0xd9: {  	[sflag:s0] =	ssyncadd.s32 @!p0 s1  }
0xda: {  	[bflag:$0x3] =	sbarrier.arrive $0xFFFF  }
0xdb: {  	_ =	shalt  }

// kernel: sparse-core-data-format-call.cloned.1.call-start
scs
called_computation_lowered:
.L_overlay_start_0:
0x0: {  	s2 =	sld [smem:$0x3FD9]  }
0x1: {  	s3 =	sld [smem:$0x3FFE];
	_ =	sdelay $0x1  }
0x2: {  	s1 =	srdreg.scid  }
0x3: {  	s0 =	sand.u32 $0x1, s1  }
0x4: {  	s18 =	sshll.u32 s0, $0xA;
	s2 =	sadd.s32 s3, s2  }
0x5: {  	s2 =	sadd.s32 s2, s18  }
0x6: {  	[smem:$0x3FC6] =	sst s2  }
0x7: {  	_ = 	snop  }
0x8: {  	s2 =	sld [smem:$0x3FD0];
	(tm) =	ssettm $0x1  }
0x9: {  	s19 =	sld [smem:$0x3FFB];
	_ =	sdelay $0x3  }
0xa: {  	_ =	strace s19  }
0xb: {  	s3 =	sld [smem:$0x3FFC];
	_ =	sdelay $0x3  }
0xc: {  	_ =	strace s3  }
0xd: {  	s3 =	sld [smem:$0x3FFD];
	_ =	sdelay $0x3  }
0xe: {  	_ =	strace s3  }
0xf: {  	_ =	strace $0x8FFFFFFF  }
0x10: {  	s20 =	sld [smem:$0x3FDB];
	_ =	sdelay $0x1  }
0x11: {  	s4 =	simm.s32 $_scs_section_size  }
0x12: {  	s5 =	simm.s32 $_size__tile_overlayer_lowered;
	s6 =	simm.s32 $_tile_overlayer_lowered  }
0x13: {  	s23 =	simm.s32 $0x1BFF;
	s22 =	sshll.u32 s6, $0x1;
	s3 =	sadd.s32 s4, s20  }
0x14: {  	s7 =	simm.s32 $0x0;
	s21 =	sshll.u32 s5, $0x1;
	s5 =	sadd.s32 s22, s3  }
0x15: {  	[timem:s7], [sflag:s23] =	dma.local [hbm:s5], s21  }
0x16: {  	_ =	swait.ge [sflag:s23], s21  }
0x17: {  	s4 =	ssub.s32 $0x0, s21;
	[sflag:s23] =	ssyncset.done $0x0  }
0x18: {  	[sflag:s23] =	ssyncadd.s32 s4;
	_ =	sdelay $0x1  }
0x19: {  	s24 =	simm.s32 $0x1B8B  }
0x1a: {  	_ =	swait.ge [sflag:s24], $0x1  }
0x1b: {  	[sflag:s24] =	ssyncset.done $0x0  }
0x1c: {  	s26 =	simm.s32 $0x1B8E;
	s25 =	sld [smem:$0x3FFE];
	[sflag:s24] =	ssyncadd.s32 $0xFFFFFFFF  }
0x1d: {  	s27 =	simm.s32 $execute0_lowered;
	[smem:$0x3FD2] =	sst s26  }
0x1e: {  	s5 =	sshll.u32 s27, $0x1;
	_ =	strace $0x80000049;
	[dreg:$0x1] =	wrdreg $0xFFFFFFFF  }
0x1f: {  	s28 =	simm.s32 $_size_execute0_lowered;
	s3 =	sadd.s32 s3, s5;
	[dreg:$0x0] =	wrdreg $0x0  }
0x20: {  	s5 =	sshll.u32 s28, $0x1;
	[dreg:$0x2] =	wrdreg s3  }
0x21: {  	[dreg:$0x3] =	wrdreg s5  }
0x22: {  	[dreg:$0x4] =	wrdreg $0xC0  }
0x23: {  	_ =	task [dreg:s7], $0x5FFFF  }
0x24: {  	[dreg:$0x1] =	wrdreg $0xFFFFFFFF  }
0x25: {  	[dreg:$0x0] =	wrdreg $0x60  }
0x26: {  	[dreg:$0x2] =	wrdreg s25  }
0x27: {  	[dreg:$0x3] =	wrdreg s2  }
0x28: {  	[dreg:$0x4] =	wrdreg $0x9  }
0x29: {  	_ =	task.clear_ibuf [dreg:s7], $0x5FFFF;
	_ =	strace $0x90000049  }
0x2a: {  	s29 =	simm.s32 $0x9;
	_ =	strace $0x8000004B  }
0x2b: {  	_ =	swait.ge [sflag:s29], $0x1  }
0x2c: {  	[sflag:s29] =	ssyncadd.s32 $0xFFFFFFFF  }
0x2d: {  	_ =	strace $0x9000004B  }
0x2e: {  	_ =	sfence  }
0x2f: {  	s30 =	sld [smem:$0x0];
	_ =	sdelay $0x2  }
0x30: {  	s31 =	sshll.u32 s1, $0xD;
	s1 =	sshrl.u32 s1, $0x2  }
0x31: {  	s3 =	sand.u32 $0x4000, s31;
	s1 =	sadd.s32 s1, s30  }
0x32: {  	s0 =	sor.u32 s3, s0;
	s1 =	sshll.u32 s1, $0x11  }
0x33: {  	s0 =	sor.u32 s1, s0  }
0x34: {  	s0 =	sadd.s32 $0x8F2B, s0  }
0x35: {  	[sflag:s0] =	ssyncadd.remote.s32 $0x1  }
0x36: {  	_ =	sfence.sel $0xFFFF  }
0x37: {  	[dreg:$0x0] =	wrdreg $0xFFFFFFFF;
	(pc) =	sbr.abs _section_cstart, $3  }
0x38: {  	[dreg:$0x1] =	wrdreg $0xFFFFFFFF  }
0x39: {  	_ =	task.clear_ibuf [dreg:s7], $0x2FFFF;
	_ =	strace $0x9FFFFFFF  }
0x3a: {  	(tm) =	ssettm $0x7FFFFFFF  }
0x3b: {  	_ =	shalt  }
tec
execute0_lowered:
.L_overlay_start_1:
0x0: {  	(tag) =	ssettag $0x1  }
0x1: {  	s0 =	srdreg.scid  }
0x2: {  	s1 =	sshll.u32 s0, $0x4  }
0x3: {  	s0 =	stileid.u32;
	s1 =	sand.u32 $0x10, s1  }
0x4: {  	s1 =	sor.u32 s0, s1  }
0x5: {  	s6 =	rddreg [dreg:$0x0];
	s4 =	simm.s32 $0x1;
	s2 =	sshll.u32 s1, $0x7  }
0x6: {  	s7 =	simm.s32 $0x2;
	s12 =	simm.s32 $0x0;
	s1 =	ssub.s32 $0x1000, s2  }
0x7: {  	s8 =	simm.s32 $0x8000;
	s13 =	simm.s32 $0x0;
	s3 =	sand.u32 $0xF80, s1  }
0x8: {  	s9 =	simm.s32 $0x0;
	s5 =	sshrl.u32 s1, $0xC;
	p0 =	sne.s32 s3, $0x0  }
.Ltmp0:
0x9: {  	s1 =	rddreg [dreg:$0x2];
	s4 =	simm.s32 @!p0 $0x0;
	(pc) =	sbr.rel .LBB1_1-.Ltmp0, $4  }
0xa: {  	s11 =	simm.s32 $0x0;
	s3 =	rddreg [dreg:$0x1];
	s5 =	sadd.s32 s4, s5  }
0xb: {  	_ =	strace $0x8000004A;
	s4 =	simm.s32 $0x1;
	s5 =	smul.u32 $0xC8, s5  }
0xc: {  	s6 =	sadd.s32 $0xA00, s6;
	s10 =	smov.u32 s2;
	[sflag:s4] =	ssyncpa.u1 $0x0  }
0xd: {  	p0 =	por $0x0, $0x0;
	[sflag:s7] =	ssyncpa.u1 $0x0;
	s7 =	sor.u32 $0x1, s5  }
.LBB1_4:
0xe: {  	s16 =	sshll.u32 s13, $0x3;
	s17 =	sand.u32 $0x78, s13  }
0xf: {  	s30 =	sand.u32 $0x3E00, s13;
	s12 =	sshll.u32 s12, $0xE;
	s16 =	sand.u32 $0xC00, s16  }
0x10: {  	s31 =	sand.u32 $0x7, s13;
	s16 =	sor.u32 s17, s16;
	s17 =	sadd.s32 s3, s30  }
0x11: {  	s13 =	sshll.u32 s31, $0x12;
	s16 =	sshrl.u32 s16, $0x3;
	s12 =	sadd.s32 s12, s17  }
0x12: {  	[tilespmem:s15+$0x0 ss:$0x81] =	vst.msk $0xffff, v0;
	s13 =	sor.u32 $0x400, s13;
	s12 =	sadd.s32 s16, s12  }
0x13: {  	[hbm4b:s12+s13] =	stream.strided.scatter [tilespmem:s14], [sflag:$0x2], $0x1000, s8, s13, $0x20;
	[tilespmem:$0x4040] =	vst v63  }
.LBB1_5:
0x14: {  	s14 =	sadd.s32 $0x1, s9  }
0x15: {  	s12 =	sadd.s32 $0x1000, s10;
	s16 =	smov.u32 s10;
	p2 =	sgt.s32 s14, $0xC7  }
0x16: {  	s16 =	smov.u32 @p2 s12  }
0x17: {  	s14 =	simm.s32 @p2 $0x0;
	p2 =	sgt.s32 s16, $0xFFF  }
0x18: {  	s16 =	smov.u32 @p2 s2;
	p2 =	sne.s32 s11, s7  }
.Ltmp1:
0x19: {  	p1 =	slt.u32 s11, $0x2;
	(pc) =	sbr.rel @!p2 .LBB1_6-.Ltmp1, $4  }
0x1a: {  	s15 =	simm.s32 @!p1 $0x2  }
0x1b: {  	s13 =	smov.u32 s10;
	p0 =	por !p0, !p0;
	_ =	swait.ge @!p1 [sflag:s15], $0x1000  }
0x1c: {  	s12 =	smov.u32 s9;
	[sflag:s15] =	ssyncset.done @!p1 $0x0;
	s9 =	smov.u32 s14  }
0x1d: {  	s11 =	sadd.s32 $0x1, s11;
	[sflag:s15] =	ssyncadd.s32 @!p1 $0xFFFFF000;
	s10 =	smov.u32 s16  }
.LBB1_1:
0x1e: {  	p1 =	sge.u32 s11, s5  }
0x1f: {  	s14 =	sand.u32 @!p1 $0x1FFFFFF, s9  }
0x20: {  	s15 =	smulhi.u32 @!p1 $0x147AE15, s14;
	_ =	sdelay $0x1  }
0x21: {  	s15 =	smul.u32 @!p1 $0xC8, s15  }
0x22: {  	s16 =	sxor.u32 @!p1 $0xFFFFFFFF, s11;
	s17 =	smul.u32 @!p1 $0xC80, s10  }
0x23: {  	s31 =	sadd.s32 $0xFFFFFFFF, s11;
	s16 =	sshll.u32 @!p1 s16, $0xC;
	s14 =	ssub.s32 @!p1 s14, s15  }
0x24: {  	s15 =	sand.u32 @!p1 $0x1000, s16;
	s16 =	sadd.s32 @!p1 s6, s17;
	s14 =	sshll.u32 @!p1 s14, $0x4  }
0x25: {  	s17 =	simm.s32 @!p1 $0x6400;
	s14 =	sadd.s32 @!p1 s14, s16;
	s16 =	simm.s32 @!p1 $0x20  }
0x26: {  	[tilespmem:s15], [sflag:$0x1] =	stream.strided.gather @!p1 [hbm4b:s14+s16], $0x1000, s17, s16, $0x38;
	[tilespmem:$0x4040] =	vst v63  }
0x27: {  	p1 =	sge.u32 s31, s5  }
.Ltmp2:
0x28: {  	_ = 	snop;
	(pc) =	sbr.rel @p1 .LBB1_5-.Ltmp2, $1  }
0x29: {  	_ =	sdelay $0x3  }
0x2a: {  	s14 =	simm.s32 $0x1  }
0x2b: {  	_ =	swait.ge [sflag:s4], $0x1000;
	s14 =	simm.s32 @!p0 $0x0  }
0x2c: {  	[sflag:s4] =	ssyncset.done $0x0;
	s15 =	sshll.u32 s14, $0xC  }
0x2d: {  	[sflag:s4] =	ssyncadd.s32 $0xFFFFF000;
	s18 =	sor.u32 $0x10, s15  }
0x2e: {  	s14 =	smul.u32 $0x4080, s14;
	v1 =	vld [tilespmem:s18+$0x0]  }
0x2f: {  	s30 =	sand.u32 $0x1, s11;
	v0 =	vld [tilespmem:s18+$0xFFFFFFF0]  }
0x30: {  	s15 =	smul.u32 $0x4080, s30;
	s14 =	sshrl.u32 s14, $0x2  }
0x31: {  	s16 =	sor.u32 $0x2000, s14  }
0x32: {  	s31 =	sshrl.u32 s15, $0x2;
	s15 =	sadd.s32 $0x0, s16  }
0x33: {  	s17 =	simm.s32 $0x4;
	s18 =	sadd.s32 $0x20, s18;
	s14 =	sor.u32 $0x2000, s31;
	[tilespmem:s15+$0x810 ss:$0x81] =	vst.msk $0xffff, v1  }
.LBB1_3:
0x34: {  	v1 =	vld [tilespmem:s18+$0x0];
	p1 =	sne.s32 s17, $0x1FC;
	[tilespmem:s15+$0x0 ss:$0x81] =	vst.msk $0xffff, v0;
	s15 =	smov.u32 s17;
	s17 =	sadd.s32 $0x4, s17  }
.Ltmp3:
0x35: {  	v0 =	vld [tilespmem:s18+$0xFFFFFFF0];
	(pc) =	sbr.rel @p1 .LBB1_3-.Ltmp3, $4  }
0x36: {  	_ = 	snop  }
0x37: {  	s15 =	sshra.s32 s15, $0x2  }
0x38: {  	s15 =	sadd.s32 s15, s16  }
0x39: {  	s18 =	sadd.s32 $0x20, s18;
	[tilespmem:s15+$0x810 ss:$0x81] =	vst.msk $0xffff, v1  }
.Ltmp4:
0x3a: {  	_ = 	snop;
	(pc) =	sbr.rel .LBB1_4-.Ltmp4, $1  }
0x3b: {  	_ =	sdelay $0x3  }
.LBB1_6:
0x3c: {  	_ =	sfence.sel $0x180000  }
0x3d: {  	s2 =	simm.s32 $0x1;
	[bflag:$0x0] =	sbarrier.arrive $0xFFFF  }
0x3e: {  	s31 =	simm.s32 $0x2;
	[sflag:s2] =	ssyncpa.u1 $0x1  }
0x3f: {  	[sflag:s31] =	ssyncpa.u1 $0x1  }
0x40: {  	p0 =	sne.s32 s0, $0x0;
	_ =	strace $0x9000004A  }
0x41: {  	s0 =	sadd.s32 @!p0 $0x100000, s1;
	[bflag:$0x2] =	sbarrier.arrive $0xFFFF  }
0x42: {  	[sflag:s0] =	ssyncadd.tile.s32 @!p0 $0x1;
	_ =	shalt  }
.Lfunc_end1:
_tile_overlayer_lowered:
.L_overlay_start_2:
0x43: {  	(tag) =	ssettag $0x2  }
0x44: {  	s0 =	rddreg [dreg:$0x0];
	s2 =	stileid.u32  }
0x45: {  	s1 =	rddreg [dreg:$0x1];
	p0 =	sne.s32 s2, $0x0  }
0x46: {  	s3 =	rddreg [dreg:$0x2];
	[bflag:$0x3] =	sbarrier.arrive $0xFFFF;
	s2 =	simm.s32 @!p0 $0x1C01  }
0x47: {  	[timem:s3], [sflag:s2] =	dma.local @!p0 [hbm:s0], s1  }
0x48: {  	s0 =	simm.s32 @!p0 $0x1  }
0x49: {  	_ =	swait.ge @!p0 [sflag:s0], s1  }
0x4a: {  	s1 =	ssub.s32 @!p0 $0x0, s1;
	[sflag:s0] =	ssyncset.done @!p0 $0x0  }
0x4b: {  	[sflag:s0] =	ssyncadd.s32 @!p0 s1  }
0x4c: {  	[bflag:$0x3] =	sbarrier.arrive $0xFFFF  }
0x4d: {  	_ =	shalt  }

</sc_bundles>
